<compile_context>
chip_gen: v7x
topology: tpu7x:2x2x1
jax: 0.10.2.dev20260603
libtpu: 0.0.44.dev20260713+nightly
codegen_flags: <defaults>
</compile_context>

<pallas_src>
import functools

import jax
import jax.numpy as jnp
from jax import lax
from jax.experimental import pallas as pl
from jax.experimental.pallas import tpu as pltpu
from jax.experimental.pallas import tpu_sc as plsc

HIDDEN = 128
EPS = 1e-05

NC = 2
NS = 16
L = 16
NW = NC * NS

BATCH = 4
SEQ = 8192
B_TOTAL = BATCH * SEQ
B_PER_W = B_TOTAL // NW
W_PER_BATCH = SEQ // B_PER_W
CH = 128
NCHUNK = B_PER_W // CH
NVREG = HIDDEN // L
NBUF = 4
PREFETCH = 2
QR = 4


def _make_kernel():
    mesh = plsc.VectorSubcoreMesh(core_axis_name="c", subcore_axis_name="s")

    @functools.partial(
        pl.kernel,
        mesh=mesh,
        out_type=jax.ShapeDtypeStruct((BATCH, SEQ, HIDDEN), jnp.float32),
        scratch_types=[
            pltpu.VMEM((B_PER_W,), jnp.int32),
            pltpu.VMEM((NBUF * CH, HIDDEN), jnp.float32),
            pltpu.VMEM((HIDDEN,), jnp.float32),
            pltpu.SemaphoreType.DMA((NBUF,)),
            pltpu.SemaphoreType.DMA((NBUF,)),
        ],
        compiler_params=pltpu.CompilerParams(needs_layout_passes=False),
    )
    def kern(ids_hbm, table_hbm, w_hbm, out_hbm, idx_v, rows_v, w_v, gsem,
             wsem):
        wid = lax.axis_index("s") * NC + lax.axis_index("c")
        batch = wid // W_PER_BATCH
        seq0 = (wid % W_PER_BATCH) * B_PER_W
        pltpu.sync_copy(w_hbm, w_v)
        wv = [w_v[pl.ds(L * j, L)] for j in range(NVREG)]
        lane = lax.iota(jnp.int32, L)

        pltpu.sync_copy(ids_hbm.at[batch, pl.ds(seq0, B_PER_W)], idx_v)

        def gather_desc(c):
            b = lax.rem(c, NBUF)
            return pltpu.make_async_copy(
                table_hbm.at[idx_v.at[pl.ds(pl.multiple_of(c * CH, CH), CH)]],
                rows_v.at[pl.ds(pl.multiple_of(b * CH, CH), CH)],
                gsem.at[b],
            )

        def writeback_desc(c):
            b = lax.rem(c, NBUF)
            return pltpu.make_async_copy(
                rows_v.at[pl.ds(pl.multiple_of(b * CH, CH), CH)],
                out_hbm.at[batch, pl.ds(seq0 + c * CH, CH)],
                wsem.at[b],
            )

        def normalize(base):
            def quad_body(q, carry):
                r0 = base + q * QR
                xs = [
                    [rows_v[r0 + i, pl.ds(L * j, L)] for j in range(NVREG)]
                    for i in range(QR)
                ]
                ms = jnp.zeros((L,), jnp.float32)
                for i in range(QR):
                    sq = [x * x for x in xs[i]]
                    acc = ((sq[0] + sq[1]) + (sq[2] + sq[3])) + (
                        (sq[4] + sq[5]) + (sq[6] + sq[7])
                    )
                    ms = jnp.where(lane == i, jnp.sum(acc), ms)
                t = ms * (1.0 / HIDDEN) + EPS
                yi = jnp.full((L,), 0x5F3759DF, jnp.int32) - \
                    lax.shift_right_logical(plsc.bitcast(t, jnp.int32), 1)
                y = plsc.bitcast(yi, jnp.float32)
                for _ in range(2):
                    y = y * (1.5 - 0.5 * t * y * y)
                for i in range(QR):
                    s = jnp.full((L,), y[i], jnp.float32)
                    for j in range(NVREG):
                        rows_v[r0 + i, pl.ds(L * j, L)] = xs[i][j] * s * wv[j]
                return carry

            lax.fori_loop(0, CH // QR, quad_body, 0, unroll=2)

        for p in range(PREFETCH):
            gather_desc(jnp.int32(p)).start()

        def chunk_body(c, carry):
            b = lax.rem(c, NBUF)

            @pl.when(c + PREFETCH < NCHUNK)
            def _():
                @pl.when(c >= NBUF - PREFETCH)
                def _():
                    writeback_desc(c - (NBUF - PREFETCH)).wait()

                gather_desc(c + PREFETCH).start()

            gather_desc(c).wait()
            normalize(pl.multiple_of(b * CH, CH))
            writeback_desc(c).start()
            return carry

        lax.fori_loop(0, NCHUNK, chunk_body, jnp.int32(0))

        for c in range(NCHUNK - NBUF, NCHUNK):
            writeback_desc(jnp.int32(c)).wait()

    return kern


_kern = _make_kernel()


def kernel(input_ids, table, ln_weight):
    ids = input_ids.astype(jnp.int32)
    return _kern(ids, table, ln_weight)

# --- scband reference (transcript-rebuilt; emitter-appended) ---
"""Pipeline reference for scband-amplifyembeddings-14809047236724 (READ-ONLY COPY).

The authoritative reference and input builder live on the scoring server;
editing this copy changes nothing except your own understanding.
"""

import jax, jax.numpy as jnp
import numpy as np

VOCAB = 100000
HIDDEN = 128
EPS = 1e-05
PAD_IDX = 0


def setup_inputs(seed: int = 0) -> dict:
    key = jax.random.key(seed)
    k1, k2 = jax.random.split(key)
    input_ids = jax.random.randint(k1, (4, 8192), 0, VOCAB, dtype=jnp.int64 if jax.config.jax_enable_x64 else jnp.int32)
    table = jax.random.normal(k2, (VOCAB, HIDDEN), dtype=jnp.float32) * 0.02
    # padding_idx row is zeroed at init in nn.Embedding
    table = table.at[PAD_IDX].set(0.0)
    ln_weight = jnp.ones((HIDDEN,), dtype=jnp.float32)
    return {"input_ids": input_ids, "table": table, "ln_weight": ln_weight}


def _rms_norm(x, weight, eps=EPS):
    input_dtype = x.dtype
    xf = x.astype(jnp.float32)
    xf = xf * jax.lax.rsqrt(jnp.mean(xf * xf, axis=-1, keepdims=True) + eps)
    return weight * xf.astype(input_dtype)


def reference(input_ids, table, ln_weight):
    # embedding gather
    inputs_embeds = jnp.take(table, input_ids, axis=0)
    # AMPLIFYRMSNorm with float32 statistics
    out = _rms_norm(inputs_embeds, ln_weight)
    return out

if __name__ == "__main__":
    import jax
    _d = setup_inputs()
    print(jax.jit(kernel)(*tuple(_d.values())))

</pallas_src>

<mosaic_0001>
#map = affine_map<(d0, d1) -> (0, 0)>
#map1 = affine_map<(d0, d1) -> (0)>
#map2 = affine_map<(d0, d1) -> (0, 0, 0)>
module attributes {stable_mosaic.version = 14 : i64} {
  func.func @kern(%arg0: i32, %arg1: i32, %arg2: memref<4x8192xi32, #tpu.memory_space<hbm>>, %arg3: memref<100000x128xf32, #tpu.memory_space<hbm>>, %arg4: memref<128xf32, #tpu.memory_space<hbm>>, %arg5: memref<4x8192x128xf32, #tpu.memory_space<hbm>>, %arg6: memref<1024xi32, #tpu.memory_space<vmem>>, %arg7: memref<512x128xf32, #tpu.memory_space<vmem>>, %arg8: memref<128xf32, #tpu.memory_space<vmem>>, %arg9: memref<4x!tpu.dma_semaphore, #tpu.memory_space<semaphore_mem>>, %arg10: memref<4x!tpu.dma_semaphore, #tpu.memory_space<semaphore_mem>>) attributes {dimension_semantics = [#tpu.dimension_semantics<core_parallel>, #tpu.dimension_semantics<subcore_parallel>], iteration_bounds = array<i64: 2, 16>, scalar_prefetch = 0 : i64, scratch_operands = 5 : i64, tpu.core_type = #tpu.core_type<sc_vector_subcore>, window_params = [{transform_indices = #map}, {transform_indices = #map}, {transform_indices = #map1}, {transform_indices = #map2}]} {
    %mul3A = arith.constant 2 : i32
    %mul3A_0 = arith.muli %arg1, %mul3A : i32
    %add3A = arith.addi %mul3A_0, %arg0 : i32
    %jit3A = arith.constant 8 : i32
    %div3A = arith.divsi %add3A, %jit3A : i32
    %sign3A = arith.constant 0 : i32
    %sign3A_1 = arith.cmpi sgt, %add3A, %sign3A : i32
    %sign3A_2 = arith.extui %sign3A_1 : i1 to i32
    %sign3A_3 = arith.constant 0 : i32
    %sign3A_4 = arith.cmpi slt, %add3A, %sign3A_3 : i32
    %sign3A_5 = arith.extui %sign3A_4 : i1 to i32
    %sign3A_6 = arith.subi %sign3A_2, %sign3A_5 : i32
    %sign3A_7 = arith.constant 0 : i32
    %sign3A_8 = arith.cmpi sgt, %jit3A, %sign3A_7 : i32
    %sign3A_9 = arith.extui %sign3A_8 : i1 to i32
    %sign3A_10 = arith.constant 0 : i32
    %sign3A_11 = arith.cmpi slt, %jit3A, %sign3A_10 : i32
    %sign3A_12 = arith.extui %sign3A_11 : i1 to i32
    %sign3A_13 = arith.subi %sign3A_9, %sign3A_12 : i32
    %ne3A = arith.cmpi ne, %sign3A_6, %sign3A_13 : i32
    %rem3A = arith.remsi %add3A, %jit3A : i32
    %ne3A_14 = arith.constant 0 : i32
    %ne3A_15 = arith.cmpi ne, %rem3A, %ne3A_14 : i32
    %and3A = arith.andi %ne3A, %ne3A_15 : i1
    %sub3A = arith.constant 1 : i32
    %sub3A_16 = arith.subi %div3A, %sub3A : i32
    %select_n3A = arith.select %and3A, %sub3A_16, %div3A : i32
    %jit3A_17 = arith.constant 8 : i32
    %eq3A = arith.constant 0 : i32
    %eq3A_18 = arith.cmpi eq, %jit3A_17, %eq3A : i32
    %jit3A_19 = arith.constant 1 : i32
    %select_n3A_20 = arith.select %eq3A_18, %jit3A_19, %jit3A_17 : i32
    %rem3A_21 = arith.remsi %add3A, %select_n3A_20 : i32
    %ne3A_22 = arith.constant 0 : i32
    %ne3A_23 = arith.cmpi ne, %rem3A_21, %ne3A_22 : i32
    %lt3A = arith.constant 0 : i32
    %lt3A_24 = arith.cmpi slt, %rem3A_21, %lt3A : i32
    %lt3A_25 = arith.constant 0 : i32
    %lt3A_26 = arith.cmpi slt, %select_n3A_20, %lt3A_25 : i32
    %ne3A_27 = arith.xori %lt3A_24, %lt3A_26 : i1
    %and3A_28 = arith.andi %ne3A_27, %ne3A_23 : i1
    %add3A_29 = arith.addi %rem3A_21, %select_n3A_20 : i32
    %select_n3A_30 = arith.select %and3A_28, %add3A_29, %rem3A_21 : i32
    %mul3A_31 = arith.constant 1024 : i32
    %mul3A_32 = arith.muli %select_n3A_30, %mul3A_31 : i32
    "tpu.region"() ({
      %run_scoped3A = tpu.sem_alloc : memref<!tpu.dma_semaphore, #tpu.memory_space<semaphore_mem>>
      tpu.enqueue_dma source(%arg4 : memref<128xf32, #tpu.memory_space<hbm>>) target(%arg8 : memref<128xf32, #tpu.memory_space<vmem>>) target_semaphore(%run_scoped3A : memref<!tpu.dma_semaphore, #tpu.memory_space<semaphore_mem>>)
      tpu.wait_dma2 semaphore(%run_scoped3A : memref<!tpu.dma_semaphore, #tpu.memory_space<semaphore_mem>>) src(%arg4 : memref<128xf32, #tpu.memory_space<hbm>>) dst(%arg8 : memref<128xf32, #tpu.memory_space<vmem>>)
      tpu.yield
    }) : () -> ()
    %get3A = arith.constant 0 : index
    %get3A_33 = tpu.vector_load %arg8[%get3A] {strides = array<i32>} : memref<128xf32, #tpu.memory_space<vmem>>, vector<16xf32>,
    %get3A_34 = arith.constant 16 : index
    %get3A_35 = tpu.vector_load %arg8[%get3A_34] {strides = array<i32>} : memref<128xf32, #tpu.memory_space<vmem>>, vector<16xf32>,
    %get3A_36 = arith.constant 32 : index
    %get3A_37 = tpu.vector_load %arg8[%get3A_36] {strides = array<i32>} : memref<128xf32, #tpu.memory_space<vmem>>, vector<16xf32>,
    %get3A_38 = arith.constant 48 : index
    %get3A_39 = tpu.vector_load %arg8[%get3A_38] {strides = array<i32>} : memref<128xf32, #tpu.memory_space<vmem>>, vector<16xf32>,
    %get3A_40 = arith.constant 64 : index
    %get3A_41 = tpu.vector_load %arg8[%get3A_40] {strides = array<i32>} : memref<128xf32, #tpu.memory_space<vmem>>, vector<16xf32>,
    %get3A_42 = arith.constant 80 : index
    %get3A_43 = tpu.vector_load %arg8[%get3A_42] {strides = array<i32>} : memref<128xf32, #tpu.memory_space<vmem>>, vector<16xf32>,
    %get3A_44 = arith.constant 96 : index
    %get3A_45 = tpu.vector_load %arg8[%get3A_44] {strides = array<i32>} : memref<128xf32, #tpu.memory_space<vmem>>, vector<16xf32>,
    %get3A_46 = arith.constant 112 : index
    %get3A_47 = tpu.vector_load %arg8[%get3A_46] {strides = array<i32>} : memref<128xf32, #tpu.memory_space<vmem>>, vector<16xf32>,
    %iota3A = tpu.iota {dimensions = array<i32: 0>} : vector<16xi32>
    "tpu.region"() ({
      %run_scoped3A = tpu.sem_alloc : memref<!tpu.dma_semaphore, #tpu.memory_space<semaphore_mem>>
      %dma_start3A_174 = tpu.memref_slice %arg2[%select_n3A, %mul3A_32] : memref<4x8192xi32, #tpu.memory_space<hbm>> -> memref<1x1024xi32, #tpu.memory_space<hbm>>
      %dma_start3A_175 = tpu.memref_squeeze %dma_start3A_174 : memref<1x1024xi32, #tpu.memory_space<hbm>> -> memref<1024xi32, #tpu.memory_space<hbm>>
      %dma_start3A_176 = tpu.memref_slice %arg2[%select_n3A, %mul3A_32] : memref<4x8192xi32, #tpu.memory_space<hbm>> -> memref<1x1024xi32, #tpu.memory_space<hbm>>
      %dma_start3A_177 = tpu.memref_squeeze %dma_start3A_176 : memref<1x1024xi32, #tpu.memory_space<hbm>> -> memref<1024xi32, #tpu.memory_space<hbm>>
      tpu.enqueue_dma source(%dma_start3A_177 : memref<1024xi32, #tpu.memory_space<hbm>>) target(%arg6 : memref<1024xi32, #tpu.memory_space<vmem>>) target_semaphore(%run_scoped3A : memref<!tpu.dma_semaphore, #tpu.memory_space<semaphore_mem>>)
      %dma_wait3A_178 = tpu.memref_slice %arg2[%select_n3A, %mul3A_32] : memref<4x8192xi32, #tpu.memory_space<hbm>> -> memref<1x1024xi32, #tpu.memory_space<hbm>>
      %dma_wait3A_179 = tpu.memref_squeeze %dma_wait3A_178 : memref<1x1024xi32, #tpu.memory_space<hbm>> -> memref<1024xi32, #tpu.memory_space<hbm>>
      %dma_wait3A_180 = tpu.memref_slice %arg2[%select_n3A, %mul3A_32] : memref<4x8192xi32, #tpu.memory_space<hbm>> -> memref<1x1024xi32, #tpu.memory_space<hbm>>
      %dma_wait3A_181 = tpu.memref_squeeze %dma_wait3A_180 : memref<1x1024xi32, #tpu.memory_space<hbm>> -> memref<1024xi32, #tpu.memory_space<hbm>>
      tpu.wait_dma2 semaphore(%run_scoped3A : memref<!tpu.dma_semaphore, #tpu.memory_space<semaphore_mem>>) src(%dma_wait3A_181 : memref<1024xi32, #tpu.memory_space<hbm>>) dst(%arg6 : memref<1024xi32, #tpu.memory_space<vmem>>)
      tpu.yield
    }) : () -> ()
    %rem3A_48 = arith.constant 0 : i32
    %rem3A_49 = arith.constant 4 : i32
    %rem3A_50 = arith.remsi %rem3A_48, %rem3A_49 : i32
    %mul3A_51 = arith.constant 0 : i32
    %mul3A_52 = arith.constant 128 : i32
    %mul3A_53 = arith.muli %mul3A_51, %mul3A_52 : i32
    %multiple_of3A = tpu.assume_multiple %mul3A_53, 128 : i32
    %mul3A_54 = arith.constant 128 : i32
    %mul3A_55 = arith.muli %rem3A_50, %mul3A_54 : i32
    %multiple_of3A_56 = tpu.assume_multiple %mul3A_55, 128 : i32
    %dma_start3A = arith.constant 0 : i32
    %dma_start3A_57 = tpu.memref_slice %arg7[%multiple_of3A_56, %dma_start3A] : memref<512x128xf32, #tpu.memory_space<vmem>> -> memref<128x128xf32, #tpu.memory_space<vmem>>
    %dma_start3A_58 = tpu.memref_slice %arg6[%multiple_of3A] : memref<1024xi32, #tpu.memory_space<vmem>> -> memref<128xi32, #tpu.memory_space<vmem>>
    %dma_start3A_59 = arith.constant 0 : i32
    %dma_start3A_60 = arith.constant 0 : i32
    %dma_start3A_61 = tpu.memref_slice %arg3[%dma_start3A_59, %dma_start3A_60] : memref<100000x128xf32, #tpu.memory_space<hbm>> -> memref<100000x128xf32, #tpu.memory_space<hbm>>
    %dma_start3A_62 = tpu.memref_slice %arg9[%rem3A_50] : memref<4x!tpu.dma_semaphore, #tpu.memory_space<semaphore_mem>> -> memref<1x!tpu.dma_semaphore, #tpu.memory_space<semaphore_mem>>
    %dma_start3A_63 = tpu.memref_squeeze %dma_start3A_62 : memref<1x!tpu.dma_semaphore, #tpu.memory_space<semaphore_mem>> -> memref<!tpu.dma_semaphore, #tpu.memory_space<semaphore_mem>>
    tpu.enqueue_indirect_dma source(%dma_start3A_61 : memref<100000x128xf32, #tpu.memory_space<hbm>>) target(%dma_start3A_57 : memref<128x128xf32, #tpu.memory_space<vmem>>) offsets(%dma_start3A_58 : memref<128xi32, #tpu.memory_space<vmem>>) semaphore(%dma_start3A_63 : memref<!tpu.dma_semaphore, #tpu.memory_space<semaphore_mem>>)
    %rem3A_64 = arith.constant 1 : i32
    %rem3A_65 = arith.constant 4 : i32
    %rem3A_66 = arith.remsi %rem3A_64, %rem3A_65 : i32
    %mul3A_67 = arith.constant 1 : i32
    %mul3A_68 = arith.constant 128 : i32
    %mul3A_69 = arith.muli %mul3A_67, %mul3A_68 : i32
    %multiple_of3A_70 = tpu.assume_multiple %mul3A_69, 128 : i32
    %mul3A_71 = arith.constant 128 : i32
    %mul3A_72 = arith.muli %rem3A_66, %mul3A_71 : i32
    %multiple_of3A_73 = tpu.assume_multiple %mul3A_72, 128 : i32
    %dma_start3A_74 = arith.constant 0 : i32
    %dma_start3A_75 = tpu.memref_slice %arg7[%multiple_of3A_73, %dma_start3A_74] : memref<512x128xf32, #tpu.memory_space<vmem>> -> memref<128x128xf32, #tpu.memory_space<vmem>>
    %dma_start3A_76 = tpu.memref_slice %arg6[%multiple_of3A_70] : memref<1024xi32, #tpu.memory_space<vmem>> -> memref<128xi32, #tpu.memory_space<vmem>>
    %dma_start3A_77 = arith.constant 0 : i32
    %dma_start3A_78 = arith.constant 0 : i32
    %dma_start3A_79 = tpu.memref_slice %arg3[%dma_start3A_77, %dma_start3A_78] : memref<100000x128xf32, #tpu.memory_space<hbm>> -> memref<100000x128xf32, #tpu.memory_space<hbm>>
    %dma_start3A_80 = tpu.memref_slice %arg9[%rem3A_66] : memref<4x!tpu.dma_semaphore, #tpu.memory_space<semaphore_mem>> -> memref<1x!tpu.dma_semaphore, #tpu.memory_space<semaphore_mem>>
    %dma_start3A_81 = tpu.memref_squeeze %dma_start3A_80 : memref<1x!tpu.dma_semaphore, #tpu.memory_space<semaphore_mem>> -> memref<!tpu.dma_semaphore, #tpu.memory_space<semaphore_mem>>
    tpu.enqueue_indirect_dma source(%dma_start3A_79 : memref<100000x128xf32, #tpu.memory_space<hbm>>) target(%dma_start3A_75 : memref<128x128xf32, #tpu.memory_space<vmem>>) offsets(%dma_start3A_76 : memref<128xi32, #tpu.memory_space<vmem>>) semaphore(%dma_start3A_81 : memref<!tpu.dma_semaphore, #tpu.memory_space<semaphore_mem>>)
    %scan3A = arith.constant 0 : i32
    %scan3A_82 = arith.constant 0 : i32
    %scan3A_83 = arith.constant 8 : i32
    %scan3A_84 = arith.addi %scan3A_82, %scan3A_83 : i32
    %scan3A_85 = arith.constant 1 : i32
    scf.for %scan3A_174 = %scan3A_82 to %scan3A_84 step %scan3A_85  : i32 {
      %rem3A_175 = arith.constant 4 : i32
      %rem3A_176 = arith.remsi %scan3A_174, %rem3A_175 : i32
      %add3A_177 = arith.constant 2 : i32
      %add3A_178 = arith.addi %scan3A_174, %add3A_177 : i32
      %lt3A_179 = arith.constant 8 : i32
      %lt3A_180 = arith.cmpi slt, %add3A_178, %lt3A_179 : i32
      %convert_element_type3A = arith.extui %lt3A_180 : i1 to i32
      %cond3A = arith.constant 0 : i32
      %cond3A_181 = arith.cmpi ne, %convert_element_type3A, %cond3A : i32
      scf.if %cond3A_181 {
        %ge3A = arith.constant 2 : i32
        %ge3A_227 = arith.cmpi sge, %scan3A_174, %ge3A : i32
        %convert_element_type3A_228 = arith.extui %ge3A_227 : i1 to i32
        %cond3A_229 = arith.constant 0 : i32
        %cond3A_230 = arith.cmpi ne, %convert_element_type3A_228, %cond3A_229 : i32
        scf.if %cond3A_230 {
          %sub3A_249 = arith.constant 2 : i32
          %sub3A_250 = arith.subi %scan3A_174, %sub3A_249 : i32
          %rem3A_251 = arith.constant 4 : i32
          %rem3A_252 = arith.remsi %sub3A_250, %rem3A_251 : i32
          %mul3A_253 = arith.constant 128 : i32
          %mul3A_254 = arith.muli %rem3A_252, %mul3A_253 : i32
          %multiple_of3A_255 = tpu.assume_multiple %mul3A_254, 128 : i32
          %mul3A_256 = arith.constant 128 : i32
          %mul3A_257 = arith.muli %sub3A_250, %mul3A_256 : i32
          %add3A_258 = arith.addi %mul3A_32, %mul3A_257 : i32
          %dma_wait3A_259 = arith.constant 0 : i32
          %dma_wait3A_260 = tpu.memref_slice %arg7[%multiple_of3A_255, %dma_wait3A_259] : memref<512x128xf32, #tpu.memory_space<vmem>> -> memref<128x128xf32, #tpu.memory_space<vmem>>
          %dma_wait3A_261 = arith.constant 0 : i32
          %dma_wait3A_262 = tpu.memref_slice %arg5[%select_n3A, %add3A_258, %dma_wait3A_261] : memref<4x8192x128xf32, #tpu.memory_space<hbm>> -> memref<1x128x128xf32, #tpu.memory_space<hbm>>
          %dma_wait3A_263 = tpu.memref_squeeze %dma_wait3A_262 : memref<1x128x128xf32, #tpu.memory_space<hbm>> -> memref<128x128xf32, #tpu.memory_space<hbm>>
          %dma_wait3A_264 = tpu.memref_slice %arg10[%rem3A_252] : memref<4x!tpu.dma_semaphore, #tpu.memory_space<semaphore_mem>> -> memref<1x!tpu.dma_semaphore, #tpu.memory_space<semaphore_mem>>
          %dma_wait3A_265 = tpu.memref_squeeze %dma_wait3A_264 : memref<1x!tpu.dma_semaphore, #tpu.memory_space<semaphore_mem>> -> memref<!tpu.dma_semaphore, #tpu.memory_space<semaphore_mem>>
          %dma_wait3A_266 = arith.constant 0 : i32
          %dma_wait3A_267 = tpu.memref_slice %arg5[%select_n3A, %add3A_258, %dma_wait3A_266] : memref<4x8192x128xf32, #tpu.memory_space<hbm>> -> memref<1x128x128xf32, #tpu.memory_space<hbm>>
          %dma_wait3A_268 = tpu.memref_squeeze %dma_wait3A_267 : memref<1x128x128xf32, #tpu.memory_space<hbm>> -> memref<128x128xf32, #tpu.memory_space<hbm>>
          %dma_wait3A_269 = arith.constant 0 : i32
          %dma_wait3A_270 = tpu.memref_slice %arg7[%multiple_of3A_255, %dma_wait3A_269] : memref<512x128xf32, #tpu.memory_space<vmem>> -> memref<128x128xf32, #tpu.memory_space<vmem>>
          tpu.wait_dma2 semaphore(%dma_wait3A_265 : memref<!tpu.dma_semaphore, #tpu.memory_space<semaphore_mem>>) src(%dma_wait3A_270 : memref<128x128xf32, #tpu.memory_space<vmem>>) dst(%dma_wait3A_268 : memref<128x128xf32, #tpu.memory_space<hbm>>)
        } else {
        }
        %add3A_231 = arith.constant 2 : i32
        %add3A_232 = arith.addi %scan3A_174, %add3A_231 : i32
        %rem3A_233 = arith.constant 4 : i32
        %rem3A_234 = arith.remsi %add3A_232, %rem3A_233 : i32
        %mul3A_235 = arith.constant 128 : i32
        %mul3A_236 = arith.muli %add3A_232, %mul3A_235 : i32
        %multiple_of3A_237 = tpu.assume_multiple %mul3A_236, 128 : i32
        %mul3A_238 = arith.constant 128 : i32
        %mul3A_239 = arith.muli %rem3A_234, %mul3A_238 : i32
        %multiple_of3A_240 = tpu.assume_multiple %mul3A_239, 128 : i32
        %dma_start3A_241 = arith.constant 0 : i32
        %dma_start3A_242 = tpu.memref_slice %arg7[%multiple_of3A_240, %dma_start3A_241] : memref<512x128xf32, #tpu.memory_space<vmem>> -> memref<128x128xf32, #tpu.memory_space<vmem>>
        %dma_start3A_243 = tpu.memref_slice %arg6[%multiple_of3A_237] : memref<1024xi32, #tpu.memory_space<vmem>> -> memref<128xi32, #tpu.memory_space<vmem>>
        %dma_start3A_244 = arith.constant 0 : i32
        %dma_start3A_245 = arith.constant 0 : i32
        %dma_start3A_246 = tpu.memref_slice %arg3[%dma_start3A_244, %dma_start3A_245] : memref<100000x128xf32, #tpu.memory_space<hbm>> -> memref<100000x128xf32, #tpu.memory_space<hbm>>
        %dma_start3A_247 = tpu.memref_slice %arg9[%rem3A_234] : memref<4x!tpu.dma_semaphore, #tpu.memory_space<semaphore_mem>> -> memref<1x!tpu.dma_semaphore, #tpu.memory_space<semaphore_mem>>
        %dma_start3A_248 = tpu.memref_squeeze %dma_start3A_247 : memref<1x!tpu.dma_semaphore, #tpu.memory_space<semaphore_mem>> -> memref<!tpu.dma_semaphore, #tpu.memory_space<semaphore_mem>>
        tpu.enqueue_indirect_dma source(%dma_start3A_246 : memref<100000x128xf32, #tpu.memory_space<hbm>>) target(%dma_start3A_242 : memref<128x128xf32, #tpu.memory_space<vmem>>) offsets(%dma_start3A_243 : memref<128xi32, #tpu.memory_space<vmem>>) semaphore(%dma_start3A_248 : memref<!tpu.dma_semaphore, #tpu.memory_space<semaphore_mem>>)
      } else {
      }
      %rem3A_182 = arith.constant 4 : i32
      %rem3A_183 = arith.remsi %scan3A_174, %rem3A_182 : i32
      %mul3A_184 = arith.constant 128 : i32
      %mul3A_185 = arith.muli %scan3A_174, %mul3A_184 : i32
      %multiple_of3A_186 = tpu.assume_multiple %mul3A_185, 128 : i32
      %mul3A_187 = arith.constant 128 : i32
      %mul3A_188 = arith.muli %rem3A_183, %mul3A_187 : i32
      %multiple_of3A_189 = tpu.assume_multiple %mul3A_188, 128 : i32
      %dma_wait3A_190 = arith.constant 0 : i32
      %dma_wait3A_191 = tpu.memref_slice %arg7[%multiple_of3A_189, %dma_wait3A_190] : memref<512x128xf32, #tpu.memory_space<vmem>> -> memref<128x128xf32, #tpu.memory_space<vmem>>
      %dma_wait3A_192 = tpu.memref_slice %arg6[%multiple_of3A_186] : memref<1024xi32, #tpu.memory_space<vmem>> -> memref<128xi32, #tpu.memory_space<vmem>>
      %dma_wait3A_193 = arith.constant 0 : i32
      %dma_wait3A_194 = arith.constant 0 : i32
      %dma_wait3A_195 = tpu.memref_slice %arg3[%dma_wait3A_193, %dma_wait3A_194] : memref<100000x128xf32, #tpu.memory_space<hbm>> -> memref<100000x128xf32, #tpu.memory_space<hbm>>
      %dma_wait3A_196 = tpu.memref_slice %arg9[%rem3A_183] : memref<4x!tpu.dma_semaphore, #tpu.memory_space<semaphore_mem>> -> memref<1x!tpu.dma_semaphore, #tpu.memory_space<semaphore_mem>>
      %dma_wait3A_197 = tpu.memref_squeeze %dma_wait3A_196 : memref<1x!tpu.dma_semaphore, #tpu.memory_space<semaphore_mem>> -> memref<!tpu.dma_semaphore, #tpu.memory_space<semaphore_mem>>
      tpu.wait_indirect_dma semaphore(%dma_wait3A_197 : memref<!tpu.dma_semaphore, #tpu.memory_space<semaphore_mem>>) src(%dma_wait3A_195 : memref<100000x128xf32, #tpu.memory_space<hbm>>) dst(%dma_wait3A_191 : memref<128x128xf32, #tpu.memory_space<vmem>>)
      %mul3A_198 = arith.constant 128 : i32
      %mul3A_199 = arith.muli %rem3A_176, %mul3A_198 : i32
      %multiple_of3A_200 = tpu.assume_multiple %mul3A_199, 128 : i32
      %scan3A_201 = arith.constant 0 : i32
      %scan3A_202 = arith.constant 0 : i32
      %scan3A_203 = arith.constant 32 : i32
      %scan3A_204 = arith.addi %scan3A_202, %scan3A_203 : i32
      %scan3A_205 = arith.constant 2 : i32
      scf.for %scan3A_227 = %scan3A_202 to %scan3A_204 step %scan3A_205  : i32 {
        %mul3A_228 = arith.constant 4 : i32
        %mul3A_229 = arith.muli %scan3A_227, %mul3A_228 : i32
        %add3A_230 = arith.addi %multiple_of3A_200, %mul3A_229 : i32
        %add3A_231 = arith.constant 0 : i32
        %add3A_232 = arith.addi %add3A_230, %add3A_231 : i32
        %get3A_233 = arith.index_cast %add3A_232 : i32 to index
        %get3A_234 = arith.constant 0 : index
        %get3A_235 = tpu.vector_load %arg7[%get3A_233, %get3A_234] {strides = array<i32>} : memref<512x128xf32, #tpu.memory_space<vmem>>, vector<16xf32>,
        %add3A_236 = arith.constant 0 : i32
        %add3A_237 = arith.addi %add3A_230, %add3A_236 : i32
        %get3A_238 = arith.index_cast %add3A_237 : i32 to index
        %get3A_239 = arith.constant 16 : index
        %get3A_240 = tpu.vector_load %arg7[%get3A_238, %get3A_239] {strides = array<i32>} : memref<512x128xf32, #tpu.memory_space<vmem>>, vector<16xf32>,
        %add3A_241 = arith.constant 0 : i32
        %add3A_242 = arith.addi %add3A_230, %add3A_241 : i32
        %get3A_243 = arith.index_cast %add3A_242 : i32 to index
        %get3A_244 = arith.constant 32 : index
        %get3A_245 = tpu.vector_load %arg7[%get3A_243, %get3A_244] {strides = array<i32>} : memref<512x128xf32, #tpu.memory_space<vmem>>, vector<16xf32>,
        %add3A_246 = arith.constant 0 : i32
        %add3A_247 = arith.addi %add3A_230, %add3A_246 : i32
        %get3A_248 = arith.index_cast %add3A_247 : i32 to index
        %get3A_249 = arith.constant 48 : index
        %get3A_250 = tpu.vector_load %arg7[%get3A_248, %get3A_249] {strides = array<i32>} : memref<512x128xf32, #tpu.memory_space<vmem>>, vector<16xf32>,
        %add3A_251 = arith.constant 0 : i32
        %add3A_252 = arith.addi %add3A_230, %add3A_251 : i32
        %get3A_253 = arith.index_cast %add3A_252 : i32 to index
        %get3A_254 = arith.constant 64 : index
        %get3A_255 = tpu.vector_load %arg7[%get3A_253, %get3A_254] {strides = array<i32>} : memref<512x128xf32, #tpu.memory_space<vmem>>, vector<16xf32>,
        %add3A_256 = arith.constant 0 : i32
        %add3A_257 = arith.addi %add3A_230, %add3A_256 : i32
        %get3A_258 = arith.index_cast %add3A_257 : i32 to index
        %get3A_259 = arith.constant 80 : index
        %get3A_260 = tpu.vector_load %arg7[%get3A_258, %get3A_259] {strides = array<i32>} : memref<512x128xf32, #tpu.memory_space<vmem>>, vector<16xf32>,
        %add3A_261 = arith.constant 0 : i32
        %add3A_262 = arith.addi %add3A_230, %add3A_261 : i32
        %get3A_263 = arith.index_cast %add3A_262 : i32 to index
        %get3A_264 = arith.constant 96 : index
        %get3A_265 = tpu.vector_load %arg7[%get3A_263, %get3A_264] {strides = array<i32>} : memref<512x128xf32, #tpu.memory_space<vmem>>, vector<16xf32>,
        %add3A_266 = arith.constant 0 : i32
        %add3A_267 = arith.addi %add3A_230, %add3A_266 : i32
        %get3A_268 = arith.index_cast %add3A_267 : i32 to index
        %get3A_269 = arith.constant 112 : index
        %get3A_270 = tpu.vector_load %arg7[%get3A_268, %get3A_269] {strides = array<i32>} : memref<512x128xf32, #tpu.memory_space<vmem>>, vector<16xf32>,
        %add3A_271 = arith.constant 1 : i32
        %add3A_272 = arith.addi %add3A_230, %add3A_271 : i32
        %get3A_273 = arith.index_cast %add3A_272 : i32 to index
        %get3A_274 = arith.constant 0 : index
        %get3A_275 = tpu.vector_load %arg7[%get3A_273, %get3A_274] {strides = array<i32>} : memref<512x128xf32, #tpu.memory_space<vmem>>, vector<16xf32>,
        %add3A_276 = arith.constant 1 : i32
        %add3A_277 = arith.addi %add3A_230, %add3A_276 : i32
        %get3A_278 = arith.index_cast %add3A_277 : i32 to index
        %get3A_279 = arith.constant 16 : index
        %get3A_280 = tpu.vector_load %arg7[%get3A_278, %get3A_279] {strides = array<i32>} : memref<512x128xf32, #tpu.memory_space<vmem>>, vector<16xf32>,
        %add3A_281 = arith.constant 1 : i32
        %add3A_282 = arith.addi %add3A_230, %add3A_281 : i32
        %get3A_283 = arith.index_cast %add3A_282 : i32 to index
        %get3A_284 = arith.constant 32 : index
        %get3A_285 = tpu.vector_load %arg7[%get3A_283, %get3A_284] {strides = array<i32>} : memref<512x128xf32, #tpu.memory_space<vmem>>, vector<16xf32>,
        %add3A_286 = arith.constant 1 : i32
        %add3A_287 = arith.addi %add3A_230, %add3A_286 : i32
        %get3A_288 = arith.index_cast %add3A_287 : i32 to index
        %get3A_289 = arith.constant 48 : index
        %get3A_290 = tpu.vector_load %arg7[%get3A_288, %get3A_289] {strides = array<i32>} : memref<512x128xf32, #tpu.memory_space<vmem>>, vector<16xf32>,
        %add3A_291 = arith.constant 1 : i32
        %add3A_292 = arith.addi %add3A_230, %add3A_291 : i32
        %get3A_293 = arith.index_cast %add3A_292 : i32 to index
        %get3A_294 = arith.constant 64 : index
        %get3A_295 = tpu.vector_load %arg7[%get3A_293, %get3A_294] {strides = array<i32>} : memref<512x128xf32, #tpu.memory_space<vmem>>, vector<16xf32>,
        %add3A_296 = arith.constant 1 : i32
        %add3A_297 = arith.addi %add3A_230, %add3A_296 : i32
        %get3A_298 = arith.index_cast %add3A_297 : i32 to index
        %get3A_299 = arith.constant 80 : index
        %get3A_300 = tpu.vector_load %arg7[%get3A_298, %get3A_299] {strides = array<i32>} : memref<512x128xf32, #tpu.memory_space<vmem>>, vector<16xf32>,
        %add3A_301 = arith.constant 1 : i32
        %add3A_302 = arith.addi %add3A_230, %add3A_301 : i32
        %get3A_303 = arith.index_cast %add3A_302 : i32 to index
        %get3A_304 = arith.constant 96 : index
        %get3A_305 = tpu.vector_load %arg7[%get3A_303, %get3A_304] {strides = array<i32>} : memref<512x128xf32, #tpu.memory_space<vmem>>, vector<16xf32>,
        %add3A_306 = arith.constant 1 : i32
        %add3A_307 = arith.addi %add3A_230, %add3A_306 : i32
        %get3A_308 = arith.index_cast %add3A_307 : i32 to index
        %get3A_309 = arith.constant 112 : index
        %get3A_310 = tpu.vector_load %arg7[%get3A_308, %get3A_309] {strides = array<i32>} : memref<512x128xf32, #tpu.memory_space<vmem>>, vector<16xf32>,
        %add3A_311 = arith.constant 2 : i32
        %add3A_312 = arith.addi %add3A_230, %add3A_311 : i32
        %get3A_313 = arith.index_cast %add3A_312 : i32 to index
        %get3A_314 = arith.constant 0 : index
        %get3A_315 = tpu.vector_load %arg7[%get3A_313, %get3A_314] {strides = array<i32>} : memref<512x128xf32, #tpu.memory_space<vmem>>, vector<16xf32>,
        %add3A_316 = arith.constant 2 : i32
        %add3A_317 = arith.addi %add3A_230, %add3A_316 : i32
        %get3A_318 = arith.index_cast %add3A_317 : i32 to index
        %get3A_319 = arith.constant 16 : index
        %get3A_320 = tpu.vector_load %arg7[%get3A_318, %get3A_319] {strides = array<i32>} : memref<512x128xf32, #tpu.memory_space<vmem>>, vector<16xf32>,
        %add3A_321 = arith.constant 2 : i32
        %add3A_322 = arith.addi %add3A_230, %add3A_321 : i32
        %get3A_323 = arith.index_cast %add3A_322 : i32 to index
        %get3A_324 = arith.constant 32 : index
        %get3A_325 = tpu.vector_load %arg7[%get3A_323, %get3A_324] {strides = array<i32>} : memref<512x128xf32, #tpu.memory_space<vmem>>, vector<16xf32>,
        %add3A_326 = arith.constant 2 : i32
        %add3A_327 = arith.addi %add3A_230, %add3A_326 : i32
        %get3A_328 = arith.index_cast %add3A_327 : i32 to index
        %get3A_329 = arith.constant 48 : index
        %get3A_330 = tpu.vector_load %arg7[%get3A_328, %get3A_329] {strides = array<i32>} : memref<512x128xf32, #tpu.memory_space<vmem>>, vector<16xf32>,
        %add3A_331 = arith.constant 2 : i32
        %add3A_332 = arith.addi %add3A_230, %add3A_331 : i32
        %get3A_333 = arith.index_cast %add3A_332 : i32 to index
        %get3A_334 = arith.constant 64 : index
        %get3A_335 = tpu.vector_load %arg7[%get3A_333, %get3A_334] {strides = array<i32>} : memref<512x128xf32, #tpu.memory_space<vmem>>, vector<16xf32>,
        %add3A_336 = arith.constant 2 : i32
        %add3A_337 = arith.addi %add3A_230, %add3A_336 : i32
        %get3A_338 = arith.index_cast %add3A_337 : i32 to index
        %get3A_339 = arith.constant 80 : index
        %get3A_340 = tpu.vector_load %arg7[%get3A_338, %get3A_339] {strides = array<i32>} : memref<512x128xf32, #tpu.memory_space<vmem>>, vector<16xf32>,
        %add3A_341 = arith.constant 2 : i32
        %add3A_342 = arith.addi %add3A_230, %add3A_341 : i32
        %get3A_343 = arith.index_cast %add3A_342 : i32 to index
        %get3A_344 = arith.constant 96 : index
        %get3A_345 = tpu.vector_load %arg7[%get3A_343, %get3A_344] {strides = array<i32>} : memref<512x128xf32, #tpu.memory_space<vmem>>, vector<16xf32>,
        %add3A_346 = arith.constant 2 : i32
        %add3A_347 = arith.addi %add3A_230, %add3A_346 : i32
        %get3A_348 = arith.index_cast %add3A_347 : i32 to index
        %get3A_349 = arith.constant 112 : index
        %get3A_350 = tpu.vector_load %arg7[%get3A_348, %get3A_349] {strides = array<i32>} : memref<512x128xf32, #tpu.memory_space<vmem>>, vector<16xf32>,
        %add3A_351 = arith.constant 3 : i32
        %add3A_352 = arith.addi %add3A_230, %add3A_351 : i32
        %get3A_353 = arith.index_cast %add3A_352 : i32 to index
        %get3A_354 = arith.constant 0 : index
        %get3A_355 = tpu.vector_load %arg7[%get3A_353, %get3A_354] {strides = array<i32>} : memref<512x128xf32, #tpu.memory_space<vmem>>, vector<16xf32>,
        %add3A_356 = arith.constant 3 : i32
        %add3A_357 = arith.addi %add3A_230, %add3A_356 : i32
        %get3A_358 = arith.index_cast %add3A_357 : i32 to index
        %get3A_359 = arith.constant 16 : index
        %get3A_360 = tpu.vector_load %arg7[%get3A_358, %get3A_359] {strides = array<i32>} : memref<512x128xf32, #tpu.memory_space<vmem>>, vector<16xf32>,
        %add3A_361 = arith.constant 3 : i32
        %add3A_362 = arith.addi %add3A_230, %add3A_361 : i32
        %get3A_363 = arith.index_cast %add3A_362 : i32 to index
        %get3A_364 = arith.constant 32 : index
        %get3A_365 = tpu.vector_load %arg7[%get3A_363, %get3A_364] {strides = array<i32>} : memref<512x128xf32, #tpu.memory_space<vmem>>, vector<16xf32>,
        %add3A_366 = arith.constant 3 : i32
        %add3A_367 = arith.addi %add3A_230, %add3A_366 : i32
        %get3A_368 = arith.index_cast %add3A_367 : i32 to index
        %get3A_369 = arith.constant 48 : index
        %get3A_370 = tpu.vector_load %arg7[%get3A_368, %get3A_369] {strides = array<i32>} : memref<512x128xf32, #tpu.memory_space<vmem>>, vector<16xf32>,
        %add3A_371 = arith.constant 3 : i32
        %add3A_372 = arith.addi %add3A_230, %add3A_371 : i32
        %get3A_373 = arith.index_cast %add3A_372 : i32 to index
        %get3A_374 = arith.constant 64 : index
        %get3A_375 = tpu.vector_load %arg7[%get3A_373, %get3A_374] {strides = array<i32>} : memref<512x128xf32, #tpu.memory_space<vmem>>, vector<16xf32>,
        %add3A_376 = arith.constant 3 : i32
        %add3A_377 = arith.addi %add3A_230, %add3A_376 : i32
        %get3A_378 = arith.index_cast %add3A_377 : i32 to index
        %get3A_379 = arith.constant 80 : index
        %get3A_380 = tpu.vector_load %arg7[%get3A_378, %get3A_379] {strides = array<i32>} : memref<512x128xf32, #tpu.memory_space<vmem>>, vector<16xf32>,
        %add3A_381 = arith.constant 3 : i32
        %add3A_382 = arith.addi %add3A_230, %add3A_381 : i32
        %get3A_383 = arith.index_cast %add3A_382 : i32 to index
        %get3A_384 = arith.constant 96 : index
        %get3A_385 = tpu.vector_load %arg7[%get3A_383, %get3A_384] {strides = array<i32>} : memref<512x128xf32, #tpu.memory_space<vmem>>, vector<16xf32>,
        %add3A_386 = arith.constant 3 : i32
        %add3A_387 = arith.addi %add3A_230, %add3A_386 : i32
        %get3A_388 = arith.index_cast %add3A_387 : i32 to index
        %get3A_389 = arith.constant 112 : index
        %get3A_390 = tpu.vector_load %arg7[%get3A_388, %get3A_389] {strides = array<i32>} : memref<512x128xf32, #tpu.memory_space<vmem>>, vector<16xf32>,
        %broadcast_in_dim3A = arith.constant 0.000000e+00 : f32
        %broadcast_in_dim3A_391 = vector.broadcast %broadcast_in_dim3A : f32 to vector<16xf32>
        %mul3A_392 = arith.mulf %get3A_235, %get3A_235 : vector<16xf32>
        %mul3A_393 = arith.mulf %get3A_240, %get3A_240 : vector<16xf32>
        %mul3A_394 = arith.mulf %get3A_245, %get3A_245 : vector<16xf32>
        %mul3A_395 = arith.mulf %get3A_250, %get3A_250 : vector<16xf32>
        %mul3A_396 = arith.mulf %get3A_255, %get3A_255 : vector<16xf32>
        %mul3A_397 = arith.mulf %get3A_260, %get3A_260 : vector<16xf32>
        %mul3A_398 = arith.mulf %get3A_265, %get3A_265 : vector<16xf32>
        %mul3A_399 = arith.mulf %get3A_270, %get3A_270 : vector<16xf32>
        %add3A_400 = arith.addf %mul3A_392, %mul3A_393 : vector<16xf32>
        %add3A_401 = arith.addf %mul3A_394, %mul3A_395 : vector<16xf32>
        %add3A_402 = arith.addf %add3A_400, %add3A_401 : vector<16xf32>
        %add3A_403 = arith.addf %mul3A_396, %mul3A_397 : vector<16xf32>
        %add3A_404 = arith.addf %mul3A_398, %mul3A_399 : vector<16xf32>
        %add3A_405 = arith.addf %add3A_403, %add3A_404 : vector<16xf32>
        %add3A_406 = arith.addf %add3A_402, %add3A_405 : vector<16xf32>
        %eq3A_407 = arith.constant 0 : i32
        %eq3A_408 = vector.broadcast %eq3A_407 : i32 to vector<16xi32>
        %eq3A_409 = arith.cmpi eq, %iota3A, %eq3A_408 : vector<16xi32>
        %reduce_sum3A = arith.constant true
        %reduce_sum3A_410 = vector.broadcast %reduce_sum3A : i1 to vector<16xi1>
        %reduce_sum3A_411 = tpu.scan <sum>, %add3A_406 masked %reduce_sum3A_410 : vector<16xf32>, vector<16xi1> -> vector<16xf32>
        %reduce_sum3A_412 = vector.extract %reduce_sum3A_411[15] : f32 from vector<16xf32>
        %broadcast_in_dim3A_413 = vector.broadcast %reduce_sum3A_412 : f32 to vector<16xf32>
        %select_n3A_414 = arith.select %eq3A_409, %broadcast_in_dim3A_413, %broadcast_in_dim3A_391 : vector<16xi1>, vector<16xf32>
        %mul3A_415 = arith.mulf %get3A_275, %get3A_275 : vector<16xf32>
        %mul3A_416 = arith.mulf %get3A_280, %get3A_280 : vector<16xf32>
        %mul3A_417 = arith.mulf %get3A_285, %get3A_285 : vector<16xf32>
        %mul3A_418 = arith.mulf %get3A_290, %get3A_290 : vector<16xf32>
        %mul3A_419 = arith.mulf %get3A_295, %get3A_295 : vector<16xf32>
        %mul3A_420 = arith.mulf %get3A_300, %get3A_300 : vector<16xf32>
        %mul3A_421 = arith.mulf %get3A_305, %get3A_305 : vector<16xf32>
        %mul3A_422 = arith.mulf %get3A_310, %get3A_310 : vector<16xf32>
        %add3A_423 = arith.addf %mul3A_415, %mul3A_416 : vector<16xf32>
        %add3A_424 = arith.addf %mul3A_417, %mul3A_418 : vector<16xf32>
        %add3A_425 = arith.addf %add3A_423, %add3A_424 : vector<16xf32>
        %add3A_426 = arith.addf %mul3A_419, %mul3A_420 : vector<16xf32>
        %add3A_427 = arith.addf %mul3A_421, %mul3A_422 : vector<16xf32>
        %add3A_428 = arith.addf %add3A_426, %add3A_427 : vector<16xf32>
        %add3A_429 = arith.addf %add3A_425, %add3A_428 : vector<16xf32>
        %eq3A_430 = arith.constant 1 : i32
        %eq3A_431 = vector.broadcast %eq3A_430 : i32 to vector<16xi32>
        %eq3A_432 = arith.cmpi eq, %iota3A, %eq3A_431 : vector<16xi32>
        %reduce_sum3A_433 = arith.constant true
        %reduce_sum3A_434 = vector.broadcast %reduce_sum3A_433 : i1 to vector<16xi1>
        %reduce_sum3A_435 = tpu.scan <sum>, %add3A_429 masked %reduce_sum3A_434 : vector<16xf32>, vector<16xi1> -> vector<16xf32>
        %reduce_sum3A_436 = vector.extract %reduce_sum3A_435[15] : f32 from vector<16xf32>
        %broadcast_in_dim3A_437 = vector.broadcast %reduce_sum3A_436 : f32 to vector<16xf32>
        %select_n3A_438 = arith.select %eq3A_432, %broadcast_in_dim3A_437, %select_n3A_414 : vector<16xi1>, vector<16xf32>
        %mul3A_439 = arith.mulf %get3A_315, %get3A_315 : vector<16xf32>
        %mul3A_440 = arith.mulf %get3A_320, %get3A_320 : vector<16xf32>
        %mul3A_441 = arith.mulf %get3A_325, %get3A_325 : vector<16xf32>
        %mul3A_442 = arith.mulf %get3A_330, %get3A_330 : vector<16xf32>
        %mul3A_443 = arith.mulf %get3A_335, %get3A_335 : vector<16xf32>
        %mul3A_444 = arith.mulf %get3A_340, %get3A_340 : vector<16xf32>
        %mul3A_445 = arith.mulf %get3A_345, %get3A_345 : vector<16xf32>
        %mul3A_446 = arith.mulf %get3A_350, %get3A_350 : vector<16xf32>
        %add3A_447 = arith.addf %mul3A_439, %mul3A_440 : vector<16xf32>
        %add3A_448 = arith.addf %mul3A_441, %mul3A_442 : vector<16xf32>
        %add3A_449 = arith.addf %add3A_447, %add3A_448 : vector<16xf32>
        %add3A_450 = arith.addf %mul3A_443, %mul3A_444 : vector<16xf32>
        %add3A_451 = arith.addf %mul3A_445, %mul3A_446 : vector<16xf32>
        %add3A_452 = arith.addf %add3A_450, %add3A_451 : vector<16xf32>
        %add3A_453 = arith.addf %add3A_449, %add3A_452 : vector<16xf32>
        %eq3A_454 = arith.constant 2 : i32
        %eq3A_455 = vector.broadcast %eq3A_454 : i32 to vector<16xi32>
        %eq3A_456 = arith.cmpi eq, %iota3A, %eq3A_455 : vector<16xi32>
        %reduce_sum3A_457 = arith.constant true
        %reduce_sum3A_458 = vector.broadcast %reduce_sum3A_457 : i1 to vector<16xi1>
        %reduce_sum3A_459 = tpu.scan <sum>, %add3A_453 masked %reduce_sum3A_458 : vector<16xf32>, vector<16xi1> -> vector<16xf32>
        %reduce_sum3A_460 = vector.extract %reduce_sum3A_459[15] : f32 from vector<16xf32>
        %broadcast_in_dim3A_461 = vector.broadcast %reduce_sum3A_460 : f32 to vector<16xf32>
        %select_n3A_462 = arith.select %eq3A_456, %broadcast_in_dim3A_461, %select_n3A_438 : vector<16xi1>, vector<16xf32>
        %mul3A_463 = arith.mulf %get3A_355, %get3A_355 : vector<16xf32>
        %mul3A_464 = arith.mulf %get3A_360, %get3A_360 : vector<16xf32>
        %mul3A_465 = arith.mulf %get3A_365, %get3A_365 : vector<16xf32>
        %mul3A_466 = arith.mulf %get3A_370, %get3A_370 : vector<16xf32>
        %mul3A_467 = arith.mulf %get3A_375, %get3A_375 : vector<16xf32>
        %mul3A_468 = arith.mulf %get3A_380, %get3A_380 : vector<16xf32>
        %mul3A_469 = arith.mulf %get3A_385, %get3A_385 : vector<16xf32>
        %mul3A_470 = arith.mulf %get3A_390, %get3A_390 : vector<16xf32>
        %add3A_471 = arith.addf %mul3A_463, %mul3A_464 : vector<16xf32>
        %add3A_472 = arith.addf %mul3A_465, %mul3A_466 : vector<16xf32>
        %add3A_473 = arith.addf %add3A_471, %add3A_472 : vector<16xf32>
        %add3A_474 = arith.addf %mul3A_467, %mul3A_468 : vector<16xf32>
        %add3A_475 = arith.addf %mul3A_469, %mul3A_470 : vector<16xf32>
        %add3A_476 = arith.addf %add3A_474, %add3A_475 : vector<16xf32>
        %add3A_477 = arith.addf %add3A_473, %add3A_476 : vector<16xf32>
        %eq3A_478 = arith.constant 3 : i32
        %eq3A_479 = vector.broadcast %eq3A_478 : i32 to vector<16xi32>
        %eq3A_480 = arith.cmpi eq, %iota3A, %eq3A_479 : vector<16xi32>
        %reduce_sum3A_481 = arith.constant true
        %reduce_sum3A_482 = vector.broadcast %reduce_sum3A_481 : i1 to vector<16xi1>
        %reduce_sum3A_483 = tpu.scan <sum>, %add3A_477 masked %reduce_sum3A_482 : vector<16xf32>, vector<16xi1> -> vector<16xf32>
        %reduce_sum3A_484 = vector.extract %reduce_sum3A_483[15] : f32 from vector<16xf32>
        %broadcast_in_dim3A_485 = vector.broadcast %reduce_sum3A_484 : f32 to vector<16xf32>
        %select_n3A_486 = arith.select %eq3A_480, %broadcast_in_dim3A_485, %select_n3A_462 : vector<16xi1>, vector<16xf32>
        %mul3A_487 = arith.constant 7.812500e-03 : f32
        %mul3A_488 = vector.broadcast %mul3A_487 : f32 to vector<16xf32>
        %mul3A_489 = arith.mulf %select_n3A_486, %mul3A_488 : vector<16xf32>
        %add3A_490 = arith.constant 9.99999974E-6 : f32
        %add3A_491 = vector.broadcast %add3A_490 : f32 to vector<16xf32>
        %add3A_492 = arith.addf %mul3A_489, %add3A_491 : vector<16xf32>
        %broadcast_in_dim3A_493 = arith.constant 1597463007 : i32
        %broadcast_in_dim3A_494 = vector.broadcast %broadcast_in_dim3A_493 : i32 to vector<16xi32>
        %bitcast3A = vector.bitcast %add3A_492 : vector<16xf32> to vector<16xi32>
        %shift_right_logical3A = arith.constant 1 : i32
        %shift_right_logical3A_495 = vector.broadcast %shift_right_logical3A : i32 to vector<16xi32>
        %shift_right_logical3A_496 = arith.shrui %bitcast3A, %shift_right_logical3A_495 : vector<16xi32>
        %sub3A_497 = arith.subi %broadcast_in_dim3A_494, %shift_right_logical3A_496 : vector<16xi32>
        %bitcast3A_498 = vector.bitcast %sub3A_497 : vector<16xi32> to vector<16xf32>
        %mul3A_499 = arith.constant 5.000000e-01 : f32
        %mul3A_500 = vector.broadcast %mul3A_499 : f32 to vector<16xf32>
        %mul3A_501 = arith.mulf %mul3A_500, %add3A_492 : vector<16xf32>
        %mul3A_502 = arith.mulf %mul3A_501, %bitcast3A_498 : vector<16xf32>
        %mul3A_503 = arith.mulf %mul3A_502, %bitcast3A_498 : vector<16xf32>
        %sub3A_504 = arith.constant 1.500000e+00 : f32
        %sub3A_505 = vector.broadcast %sub3A_504 : f32 to vector<16xf32>
        %sub3A_506 = arith.subf %sub3A_505, %mul3A_503 : vector<16xf32>
        %mul3A_507 = arith.mulf %bitcast3A_498, %sub3A_506 : vector<16xf32>
        %mul3A_508 = arith.constant 5.000000e-01 : f32
        %mul3A_509 = vector.broadcast %mul3A_508 : f32 to vector<16xf32>
        %mul3A_510 = arith.mulf %mul3A_509, %add3A_492 : vector<16xf32>
        %mul3A_511 = arith.mulf %mul3A_510, %mul3A_507 : vector<16xf32>
        %mul3A_512 = arith.mulf %mul3A_511, %mul3A_507 : vector<16xf32>
        %sub3A_513 = arith.constant 1.500000e+00 : f32
        %sub3A_514 = vector.broadcast %sub3A_513 : f32 to vector<16xf32>
        %sub3A_515 = arith.subf %sub3A_514, %mul3A_512 : vector<16xf32>
        %mul3A_516 = arith.mulf %mul3A_507, %sub3A_515 : vector<16xf32>
        %slice3A = vector.extract_strided_slice %mul3A_516 {offsets = [0], sizes = [1], strides = [1]} : vector<16xf32> to vector<1xf32>
        %squeeze3A = vector.extract %slice3A[0] : f32 from vector<1xf32>
        %broadcast_in_dim3A_517 = vector.broadcast %squeeze3A : f32 to vector<16xf32>
        %mul3A_518 = arith.mulf %get3A_235, %broadcast_in_dim3A_517 : vector<16xf32>
        %mul3A_519 = arith.mulf %mul3A_518, %get3A_33 : vector<16xf32>
        %add3A_520 = arith.constant 0 : i32
        %add3A_521 = arith.addi %add3A_230, %add3A_520 : i32
        %swap3A = arith.index_cast %add3A_521 : i32 to index
        %swap3A_522 = arith.constant 0 : index
        %swap3A_523 = tpu.vector_load %arg7[%swap3A, %swap3A_522] {strides = array<i32>} : memref<512x128xf32, #tpu.memory_space<vmem>>, vector<16xf32>,
        tpu.vector_store %arg7[%swap3A, %swap3A_522], %mul3A_519 {strides = array<i32>} : memref<512x128xf32, #tpu.memory_space<vmem>>, vector<16xf32>,
        %mul3A_524 = arith.mulf %get3A_240, %broadcast_in_dim3A_517 : vector<16xf32>
        %mul3A_525 = arith.mulf %mul3A_524, %get3A_35 : vector<16xf32>
        %add3A_526 = arith.constant 0 : i32
        %add3A_527 = arith.addi %add3A_230, %add3A_526 : i32
        %swap3A_528 = arith.index_cast %add3A_527 : i32 to index
        %swap3A_529 = arith.constant 16 : index
        %swap3A_530 = tpu.vector_load %arg7[%swap3A_528, %swap3A_529] {strides = array<i32>} : memref<512x128xf32, #tpu.memory_space<vmem>>, vector<16xf32>,
        tpu.vector_store %arg7[%swap3A_528, %swap3A_529], %mul3A_525 {strides = array<i32>} : memref<512x128xf32, #tpu.memory_space<vmem>>, vector<16xf32>,
        %mul3A_531 = arith.mulf %get3A_245, %broadcast_in_dim3A_517 : vector<16xf32>
        %mul3A_532 = arith.mulf %mul3A_531, %get3A_37 : vector<16xf32>
        %add3A_533 = arith.constant 0 : i32
        %add3A_534 = arith.addi %add3A_230, %add3A_533 : i32
        %swap3A_535 = arith.index_cast %add3A_534 : i32 to index
        %swap3A_536 = arith.constant 32 : index
        %swap3A_537 = tpu.vector_load %arg7[%swap3A_535, %swap3A_536] {strides = array<i32>} : memref<512x128xf32, #tpu.memory_space<vmem>>, vector<16xf32>,
        tpu.vector_store %arg7[%swap3A_535, %swap3A_536], %mul3A_532 {strides = array<i32>} : memref<512x128xf32, #tpu.memory_space<vmem>>, vector<16xf32>,
        %mul3A_538 = arith.mulf %get3A_250, %broadcast_in_dim3A_517 : vector<16xf32>
        %mul3A_539 = arith.mulf %mul3A_538, %get3A_39 : vector<16xf32>
        %add3A_540 = arith.constant 0 : i32
        %add3A_541 = arith.addi %add3A_230, %add3A_540 : i32
        %swap3A_542 = arith.index_cast %add3A_541 : i32 to index
        %swap3A_543 = arith.constant 48 : index
        %swap3A_544 = tpu.vector_load %arg7[%swap3A_542, %swap3A_543] {strides = array<i32>} : memref<512x128xf32, #tpu.memory_space<vmem>>, vector<16xf32>,
        tpu.vector_store %arg7[%swap3A_542, %swap3A_543], %mul3A_539 {strides = array<i32>} : memref<512x128xf32, #tpu.memory_space<vmem>>, vector<16xf32>,
        %mul3A_545 = arith.mulf %get3A_255, %broadcast_in_dim3A_517 : vector<16xf32>
        %mul3A_546 = arith.mulf %mul3A_545, %get3A_41 : vector<16xf32>
        %add3A_547 = arith.constant 0 : i32
        %add3A_548 = arith.addi %add3A_230, %add3A_547 : i32
        %swap3A_549 = arith.index_cast %add3A_548 : i32 to index
        %swap3A_550 = arith.constant 64 : index
        %swap3A_551 = tpu.vector_load %arg7[%swap3A_549, %swap3A_550] {strides = array<i32>} : memref<512x128xf32, #tpu.memory_space<vmem>>, vector<16xf32>,
        tpu.vector_store %arg7[%swap3A_549, %swap3A_550], %mul3A_546 {strides = array<i32>} : memref<512x128xf32, #tpu.memory_space<vmem>>, vector<16xf32>,
        %mul3A_552 = arith.mulf %get3A_260, %broadcast_in_dim3A_517 : vector<16xf32>
        %mul3A_553 = arith.mulf %mul3A_552, %get3A_43 : vector<16xf32>
        %add3A_554 = arith.constant 0 : i32
        %add3A_555 = arith.addi %add3A_230, %add3A_554 : i32
        %swap3A_556 = arith.index_cast %add3A_555 : i32 to index
        %swap3A_557 = arith.constant 80 : index
        %swap3A_558 = tpu.vector_load %arg7[%swap3A_556, %swap3A_557] {strides = array<i32>} : memref<512x128xf32, #tpu.memory_space<vmem>>, vector<16xf32>,
        tpu.vector_store %arg7[%swap3A_556, %swap3A_557], %mul3A_553 {strides = array<i32>} : memref<512x128xf32, #tpu.memory_space<vmem>>, vector<16xf32>,
        %mul3A_559 = arith.mulf %get3A_265, %broadcast_in_dim3A_517 : vector<16xf32>
        %mul3A_560 = arith.mulf %mul3A_559, %get3A_45 : vector<16xf32>
        %add3A_561 = arith.constant 0 : i32
        %add3A_562 = arith.addi %add3A_230, %add3A_561 : i32
        %swap3A_563 = arith.index_cast %add3A_562 : i32 to index
        %swap3A_564 = arith.constant 96 : index
        %swap3A_565 = tpu.vector_load %arg7[%swap3A_563, %swap3A_564] {strides = array<i32>} : memref<512x128xf32, #tpu.memory_space<vmem>>, vector<16xf32>,
        tpu.vector_store %arg7[%swap3A_563, %swap3A_564], %mul3A_560 {strides = array<i32>} : memref<512x128xf32, #tpu.memory_space<vmem>>, vector<16xf32>,
        %mul3A_566 = arith.mulf %get3A_270, %broadcast_in_dim3A_517 : vector<16xf32>
        %mul3A_567 = arith.mulf %mul3A_566, %get3A_47 : vector<16xf32>
        %add3A_568 = arith.constant 0 : i32
        %add3A_569 = arith.addi %add3A_230, %add3A_568 : i32
        %swap3A_570 = arith.index_cast %add3A_569 : i32 to index
        %swap3A_571 = arith.constant 112 : index
        %swap3A_572 = tpu.vector_load %arg7[%swap3A_570, %swap3A_571] {strides = array<i32>} : memref<512x128xf32, #tpu.memory_space<vmem>>, vector<16xf32>,
        tpu.vector_store %arg7[%swap3A_570, %swap3A_571], %mul3A_567 {strides = array<i32>} : memref<512x128xf32, #tpu.memory_space<vmem>>, vector<16xf32>,
        %slice3A_573 = vector.extract_strided_slice %mul3A_516 {offsets = [1], sizes = [1], strides = [1]} : vector<16xf32> to vector<1xf32>
        %squeeze3A_574 = vector.extract %slice3A_573[0] : f32 from vector<1xf32>
        %broadcast_in_dim3A_575 = vector.broadcast %squeeze3A_574 : f32 to vector<16xf32>
        %mul3A_576 = arith.mulf %get3A_275, %broadcast_in_dim3A_575 : vector<16xf32>
        %mul3A_577 = arith.mulf %mul3A_576, %get3A_33 : vector<16xf32>
        %add3A_578 = arith.constant 1 : i32
        %add3A_579 = arith.addi %add3A_230, %add3A_578 : i32
        %swap3A_580 = arith.index_cast %add3A_579 : i32 to index
        %swap3A_581 = arith.constant 0 : index
        %swap3A_582 = tpu.vector_load %arg7[%swap3A_580, %swap3A_581] {strides = array<i32>} : memref<512x128xf32, #tpu.memory_space<vmem>>, vector<16xf32>,
        tpu.vector_store %arg7[%swap3A_580, %swap3A_581], %mul3A_577 {strides = array<i32>} : memref<512x128xf32, #tpu.memory_space<vmem>>, vector<16xf32>,
        %mul3A_583 = arith.mulf %get3A_280, %broadcast_in_dim3A_575 : vector<16xf32>
        %mul3A_584 = arith.mulf %mul3A_583, %get3A_35 : vector<16xf32>
        %add3A_585 = arith.constant 1 : i32
        %add3A_586 = arith.addi %add3A_230, %add3A_585 : i32
        %swap3A_587 = arith.index_cast %add3A_586 : i32 to index
        %swap3A_588 = arith.constant 16 : index
        %swap3A_589 = tpu.vector_load %arg7[%swap3A_587, %swap3A_588] {strides = array<i32>} : memref<512x128xf32, #tpu.memory_space<vmem>>, vector<16xf32>,
        tpu.vector_store %arg7[%swap3A_587, %swap3A_588], %mul3A_584 {strides = array<i32>} : memref<512x128xf32, #tpu.memory_space<vmem>>, vector<16xf32>,
        %mul3A_590 = arith.mulf %get3A_285, %broadcast_in_dim3A_575 : vector<16xf32>
        %mul3A_591 = arith.mulf %mul3A_590, %get3A_37 : vector<16xf32>
        %add3A_592 = arith.constant 1 : i32
        %add3A_593 = arith.addi %add3A_230, %add3A_592 : i32
        %swap3A_594 = arith.index_cast %add3A_593 : i32 to index
        %swap3A_595 = arith.constant 32 : index
        %swap3A_596 = tpu.vector_load %arg7[%swap3A_594, %swap3A_595] {strides = array<i32>} : memref<512x128xf32, #tpu.memory_space<vmem>>, vector<16xf32>,
        tpu.vector_store %arg7[%swap3A_594, %swap3A_595], %mul3A_591 {strides = array<i32>} : memref<512x128xf32, #tpu.memory_space<vmem>>, vector<16xf32>,
        %mul3A_597 = arith.mulf %get3A_290, %broadcast_in_dim3A_575 : vector<16xf32>
        %mul3A_598 = arith.mulf %mul3A_597, %get3A_39 : vector<16xf32>
        %add3A_599 = arith.constant 1 : i32
        %add3A_600 = arith.addi %add3A_230, %add3A_599 : i32
        %swap3A_601 = arith.index_cast %add3A_600 : i32 to index
        %swap3A_602 = arith.constant 48 : index
        %swap3A_603 = tpu.vector_load %arg7[%swap3A_601, %swap3A_602] {strides = array<i32>} : memref<512x128xf32, #tpu.memory_space<vmem>>, vector<16xf32>,
        tpu.vector_store %arg7[%swap3A_601, %swap3A_602], %mul3A_598 {strides = array<i32>} : memref<512x128xf32, #tpu.memory_space<vmem>>, vector<16xf32>,
        %mul3A_604 = arith.mulf %get3A_295, %broadcast_in_dim3A_575 : vector<16xf32>
        %mul3A_605 = arith.mulf %mul3A_604, %get3A_41 : vector<16xf32>
        %add3A_606 = arith.constant 1 : i32
        %add3A_607 = arith.addi %add3A_230, %add3A_606 : i32
        %swap3A_608 = arith.index_cast %add3A_607 : i32 to index
        %swap3A_609 = arith.constant 64 : index
        %swap3A_610 = tpu.vector_load %arg7[%swap3A_608, %swap3A_609] {strides = array<i32>} : memref<512x128xf32, #tpu.memory_space<vmem>>, vector<16xf32>,
        tpu.vector_store %arg7[%swap3A_608, %swap3A_609], %mul3A_605 {strides = array<i32>} : memref<512x128xf32, #tpu.memory_space<vmem>>, vector<16xf32>,
        %mul3A_611 = arith.mulf %get3A_300, %broadcast_in_dim3A_575 : vector<16xf32>
        %mul3A_612 = arith.mulf %mul3A_611, %get3A_43 : vector<16xf32>
        %add3A_613 = arith.constant 1 : i32
        %add3A_614 = arith.addi %add3A_230, %add3A_613 : i32
        %swap3A_615 = arith.index_cast %add3A_614 : i32 to index
        %swap3A_616 = arith.constant 80 : index
        %swap3A_617 = tpu.vector_load %arg7[%swap3A_615, %swap3A_616] {strides = array<i32>} : memref<512x128xf32, #tpu.memory_space<vmem>>, vector<16xf32>,
        tpu.vector_store %arg7[%swap3A_615, %swap3A_616], %mul3A_612 {strides = array<i32>} : memref<512x128xf32, #tpu.memory_space<vmem>>, vector<16xf32>,
        %mul3A_618 = arith.mulf %get3A_305, %broadcast_in_dim3A_575 : vector<16xf32>
        %mul3A_619 = arith.mulf %mul3A_618, %get3A_45 : vector<16xf32>
        %add3A_620 = arith.constant 1 : i32
        %add3A_621 = arith.addi %add3A_230, %add3A_620 : i32
        %swap3A_622 = arith.index_cast %add3A_621 : i32 to index
        %swap3A_623 = arith.constant 96 : index
        %swap3A_624 = tpu.vector_load %arg7[%swap3A_622, %swap3A_623] {strides = array<i32>} : memref<512x128xf32, #tpu.memory_space<vmem>>, vector<16xf32>,
        tpu.vector_store %arg7[%swap3A_622, %swap3A_623], %mul3A_619 {strides = array<i32>} : memref<512x128xf32, #tpu.memory_space<vmem>>, vector<16xf32>,
        %mul3A_625 = arith.mulf %get3A_310, %broadcast_in_dim3A_575 : vector<16xf32>
        %mul3A_626 = arith.mulf %mul3A_625, %get3A_47 : vector<16xf32>
        %add3A_627 = arith.constant 1 : i32
        %add3A_628 = arith.addi %add3A_230, %add3A_627 : i32
        %swap3A_629 = arith.index_cast %add3A_628 : i32 to index
        %swap3A_630 = arith.constant 112 : index
        %swap3A_631 = tpu.vector_load %arg7[%swap3A_629, %swap3A_630] {strides = array<i32>} : memref<512x128xf32, #tpu.memory_space<vmem>>, vector<16xf32>,
        tpu.vector_store %arg7[%swap3A_629, %swap3A_630], %mul3A_626 {strides = array<i32>} : memref<512x128xf32, #tpu.memory_space<vmem>>, vector<16xf32>,
        %slice3A_632 = vector.extract_strided_slice %mul3A_516 {offsets = [2], sizes = [1], strides = [1]} : vector<16xf32> to vector<1xf32>
        %squeeze3A_633 = vector.extract %slice3A_632[0] : f32 from vector<1xf32>
        %broadcast_in_dim3A_634 = vector.broadcast %squeeze3A_633 : f32 to vector<16xf32>
        %mul3A_635 = arith.mulf %get3A_315, %broadcast_in_dim3A_634 : vector<16xf32>
        %mul3A_636 = arith.mulf %mul3A_635, %get3A_33 : vector<16xf32>
        %add3A_637 = arith.constant 2 : i32
        %add3A_638 = arith.addi %add3A_230, %add3A_637 : i32
        %swap3A_639 = arith.index_cast %add3A_638 : i32 to index
        %swap3A_640 = arith.constant 0 : index
        %swap3A_641 = tpu.vector_load %arg7[%swap3A_639, %swap3A_640] {strides = array<i32>} : memref<512x128xf32, #tpu.memory_space<vmem>>, vector<16xf32>,
        tpu.vector_store %arg7[%swap3A_639, %swap3A_640], %mul3A_636 {strides = array<i32>} : memref<512x128xf32, #tpu.memory_space<vmem>>, vector<16xf32>,
        %mul3A_642 = arith.mulf %get3A_320, %broadcast_in_dim3A_634 : vector<16xf32>
        %mul3A_643 = arith.mulf %mul3A_642, %get3A_35 : vector<16xf32>
        %add3A_644 = arith.constant 2 : i32
        %add3A_645 = arith.addi %add3A_230, %add3A_644 : i32
        %swap3A_646 = arith.index_cast %add3A_645 : i32 to index
        %swap3A_647 = arith.constant 16 : index
        %swap3A_648 = tpu.vector_load %arg7[%swap3A_646, %swap3A_647] {strides = array<i32>} : memref<512x128xf32, #tpu.memory_space<vmem>>, vector<16xf32>,
        tpu.vector_store %arg7[%swap3A_646, %swap3A_647], %mul3A_643 {strides = array<i32>} : memref<512x128xf32, #tpu.memory_space<vmem>>, vector<16xf32>,
        %mul3A_649 = arith.mulf %get3A_325, %broadcast_in_dim3A_634 : vector<16xf32>
        %mul3A_650 = arith.mulf %mul3A_649, %get3A_37 : vector<16xf32>
        %add3A_651 = arith.constant 2 : i32
        %add3A_652 = arith.addi %add3A_230, %add3A_651 : i32
        %swap3A_653 = arith.index_cast %add3A_652 : i32 to index
        %swap3A_654 = arith.constant 32 : index
        %swap3A_655 = tpu.vector_load %arg7[%swap3A_653, %swap3A_654] {strides = array<i32>} : memref<512x128xf32, #tpu.memory_space<vmem>>, vector<16xf32>,
        tpu.vector_store %arg7[%swap3A_653, %swap3A_654], %mul3A_650 {strides = array<i32>} : memref<512x128xf32, #tpu.memory_space<vmem>>, vector<16xf32>,
        %mul3A_656 = arith.mulf %get3A_330, %broadcast_in_dim3A_634 : vector<16xf32>
        %mul3A_657 = arith.mulf %mul3A_656, %get3A_39 : vector<16xf32>
        %add3A_658 = arith.constant 2 : i32
        %add3A_659 = arith.addi %add3A_230, %add3A_658 : i32
        %swap3A_660 = arith.index_cast %add3A_659 : i32 to index
        %swap3A_661 = arith.constant 48 : index
        %swap3A_662 = tpu.vector_load %arg7[%swap3A_660, %swap3A_661] {strides = array<i32>} : memref<512x128xf32, #tpu.memory_space<vmem>>, vector<16xf32>,
        tpu.vector_store %arg7[%swap3A_660, %swap3A_661], %mul3A_657 {strides = array<i32>} : memref<512x128xf32, #tpu.memory_space<vmem>>, vector<16xf32>,
        %mul3A_663 = arith.mulf %get3A_335, %broadcast_in_dim3A_634 : vector<16xf32>
        %mul3A_664 = arith.mulf %mul3A_663, %get3A_41 : vector<16xf32>
        %add3A_665 = arith.constant 2 : i32
        %add3A_666 = arith.addi %add3A_230, %add3A_665 : i32
        %swap3A_667 = arith.index_cast %add3A_666 : i32 to index
        %swap3A_668 = arith.constant 64 : index
        %swap3A_669 = tpu.vector_load %arg7[%swap3A_667, %swap3A_668] {strides = array<i32>} : memref<512x128xf32, #tpu.memory_space<vmem>>, vector<16xf32>,
        tpu.vector_store %arg7[%swap3A_667, %swap3A_668], %mul3A_664 {strides = array<i32>} : memref<512x128xf32, #tpu.memory_space<vmem>>, vector<16xf32>,
        %mul3A_670 = arith.mulf %get3A_340, %broadcast_in_dim3A_634 : vector<16xf32>
        %mul3A_671 = arith.mulf %mul3A_670, %get3A_43 : vector<16xf32>
        %add3A_672 = arith.constant 2 : i32
        %add3A_673 = arith.addi %add3A_230, %add3A_672 : i32
        %swap3A_674 = arith.index_cast %add3A_673 : i32 to index
        %swap3A_675 = arith.constant 80 : index
        %swap3A_676 = tpu.vector_load %arg7[%swap3A_674, %swap3A_675] {strides = array<i32>} : memref<512x128xf32, #tpu.memory_space<vmem>>, vector<16xf32>,
        tpu.vector_store %arg7[%swap3A_674, %swap3A_675], %mul3A_671 {strides = array<i32>} : memref<512x128xf32, #tpu.memory_space<vmem>>, vector<16xf32>,
        %mul3A_677 = arith.mulf %get3A_345, %broadcast_in_dim3A_634 : vector<16xf32>
        %mul3A_678 = arith.mulf %mul3A_677, %get3A_45 : vector<16xf32>
        %add3A_679 = arith.constant 2 : i32
        %add3A_680 = arith.addi %add3A_230, %add3A_679 : i32
        %swap3A_681 = arith.index_cast %add3A_680 : i32 to index
        %swap3A_682 = arith.constant 96 : index
        %swap3A_683 = tpu.vector_load %arg7[%swap3A_681, %swap3A_682] {strides = array<i32>} : memref<512x128xf32, #tpu.memory_space<vmem>>, vector<16xf32>,
        tpu.vector_store %arg7[%swap3A_681, %swap3A_682], %mul3A_678 {strides = array<i32>} : memref<512x128xf32, #tpu.memory_space<vmem>>, vector<16xf32>,
        %mul3A_684 = arith.mulf %get3A_350, %broadcast_in_dim3A_634 : vector<16xf32>
        %mul3A_685 = arith.mulf %mul3A_684, %get3A_47 : vector<16xf32>
        %add3A_686 = arith.constant 2 : i32
        %add3A_687 = arith.addi %add3A_230, %add3A_686 : i32
        %swap3A_688 = arith.index_cast %add3A_687 : i32 to index
        %swap3A_689 = arith.constant 112 : index
        %swap3A_690 = tpu.vector_load %arg7[%swap3A_688, %swap3A_689] {strides = array<i32>} : memref<512x128xf32, #tpu.memory_space<vmem>>, vector<16xf32>,
        tpu.vector_store %arg7[%swap3A_688, %swap3A_689], %mul3A_685 {strides = array<i32>} : memref<512x128xf32, #tpu.memory_space<vmem>>, vector<16xf32>,
        %slice3A_691 = vector.extract_strided_slice %mul3A_516 {offsets = [3], sizes = [1], strides = [1]} : vector<16xf32> to vector<1xf32>
        %squeeze3A_692 = vector.extract %slice3A_691[0] : f32 from vector<1xf32>
        %broadcast_in_dim3A_693 = vector.broadcast %squeeze3A_692 : f32 to vector<16xf32>
        %mul3A_694 = arith.mulf %get3A_355, %broadcast_in_dim3A_693 : vector<16xf32>
        %mul3A_695 = arith.mulf %mul3A_694, %get3A_33 : vector<16xf32>
        %add3A_696 = arith.constant 3 : i32
        %add3A_697 = arith.addi %add3A_230, %add3A_696 : i32
        %swap3A_698 = arith.index_cast %add3A_697 : i32 to index
        %swap3A_699 = arith.constant 0 : index
        %swap3A_700 = tpu.vector_load %arg7[%swap3A_698, %swap3A_699] {strides = array<i32>} : memref<512x128xf32, #tpu.memory_space<vmem>>, vector<16xf32>,
        tpu.vector_store %arg7[%swap3A_698, %swap3A_699], %mul3A_695 {strides = array<i32>} : memref<512x128xf32, #tpu.memory_space<vmem>>, vector<16xf32>,
        %mul3A_701 = arith.mulf %get3A_360, %broadcast_in_dim3A_693 : vector<16xf32>
        %mul3A_702 = arith.mulf %mul3A_701, %get3A_35 : vector<16xf32>
        %add3A_703 = arith.constant 3 : i32
        %add3A_704 = arith.addi %add3A_230, %add3A_703 : i32
        %swap3A_705 = arith.index_cast %add3A_704 : i32 to index
        %swap3A_706 = arith.constant 16 : index
        %swap3A_707 = tpu.vector_load %arg7[%swap3A_705, %swap3A_706] {strides = array<i32>} : memref<512x128xf32, #tpu.memory_space<vmem>>, vector<16xf32>,
        tpu.vector_store %arg7[%swap3A_705, %swap3A_706], %mul3A_702 {strides = array<i32>} : memref<512x128xf32, #tpu.memory_space<vmem>>, vector<16xf32>,
        %mul3A_708 = arith.mulf %get3A_365, %broadcast_in_dim3A_693 : vector<16xf32>
        %mul3A_709 = arith.mulf %mul3A_708, %get3A_37 : vector<16xf32>
        %add3A_710 = arith.constant 3 : i32
        %add3A_711 = arith.addi %add3A_230, %add3A_710 : i32
        %swap3A_712 = arith.index_cast %add3A_711 : i32 to index
        %swap3A_713 = arith.constant 32 : index
        %swap3A_714 = tpu.vector_load %arg7[%swap3A_712, %swap3A_713] {strides = array<i32>} : memref<512x128xf32, #tpu.memory_space<vmem>>, vector<16xf32>,
        tpu.vector_store %arg7[%swap3A_712, %swap3A_713], %mul3A_709 {strides = array<i32>} : memref<512x128xf32, #tpu.memory_space<vmem>>, vector<16xf32>,
        %mul3A_715 = arith.mulf %get3A_370, %broadcast_in_dim3A_693 : vector<16xf32>
        %mul3A_716 = arith.mulf %mul3A_715, %get3A_39 : vector<16xf32>
        %add3A_717 = arith.constant 3 : i32
        %add3A_718 = arith.addi %add3A_230, %add3A_717 : i32
        %swap3A_719 = arith.index_cast %add3A_718 : i32 to index
        %swap3A_720 = arith.constant 48 : index
        %swap3A_721 = tpu.vector_load %arg7[%swap3A_719, %swap3A_720] {strides = array<i32>} : memref<512x128xf32, #tpu.memory_space<vmem>>, vector<16xf32>,
        tpu.vector_store %arg7[%swap3A_719, %swap3A_720], %mul3A_716 {strides = array<i32>} : memref<512x128xf32, #tpu.memory_space<vmem>>, vector<16xf32>,
        %mul3A_722 = arith.mulf %get3A_375, %broadcast_in_dim3A_693 : vector<16xf32>
        %mul3A_723 = arith.mulf %mul3A_722, %get3A_41 : vector<16xf32>
        %add3A_724 = arith.constant 3 : i32
        %add3A_725 = arith.addi %add3A_230, %add3A_724 : i32
        %swap3A_726 = arith.index_cast %add3A_725 : i32 to index
        %swap3A_727 = arith.constant 64 : index
        %swap3A_728 = tpu.vector_load %arg7[%swap3A_726, %swap3A_727] {strides = array<i32>} : memref<512x128xf32, #tpu.memory_space<vmem>>, vector<16xf32>,
        tpu.vector_store %arg7[%swap3A_726, %swap3A_727], %mul3A_723 {strides = array<i32>} : memref<512x128xf32, #tpu.memory_space<vmem>>, vector<16xf32>,
        %mul3A_729 = arith.mulf %get3A_380, %broadcast_in_dim3A_693 : vector<16xf32>
        %mul3A_730 = arith.mulf %mul3A_729, %get3A_43 : vector<16xf32>
        %add3A_731 = arith.constant 3 : i32
        %add3A_732 = arith.addi %add3A_230, %add3A_731 : i32
        %swap3A_733 = arith.index_cast %add3A_732 : i32 to index
        %swap3A_734 = arith.constant 80 : index
        %swap3A_735 = tpu.vector_load %arg7[%swap3A_733, %swap3A_734] {strides = array<i32>} : memref<512x128xf32, #tpu.memory_space<vmem>>, vector<16xf32>,
        tpu.vector_store %arg7[%swap3A_733, %swap3A_734], %mul3A_730 {strides = array<i32>} : memref<512x128xf32, #tpu.memory_space<vmem>>, vector<16xf32>,
        %mul3A_736 = arith.mulf %get3A_385, %broadcast_in_dim3A_693 : vector<16xf32>
        %mul3A_737 = arith.mulf %mul3A_736, %get3A_45 : vector<16xf32>
        %add3A_738 = arith.constant 3 : i32
        %add3A_739 = arith.addi %add3A_230, %add3A_738 : i32
        %swap3A_740 = arith.index_cast %add3A_739 : i32 to index
        %swap3A_741 = arith.constant 96 : index
        %swap3A_742 = tpu.vector_load %arg7[%swap3A_740, %swap3A_741] {strides = array<i32>} : memref<512x128xf32, #tpu.memory_space<vmem>>, vector<16xf32>,
        tpu.vector_store %arg7[%swap3A_740, %swap3A_741], %mul3A_737 {strides = array<i32>} : memref<512x128xf32, #tpu.memory_space<vmem>>, vector<16xf32>,
        %mul3A_743 = arith.mulf %get3A_390, %broadcast_in_dim3A_693 : vector<16xf32>
        %mul3A_744 = arith.mulf %mul3A_743, %get3A_47 : vector<16xf32>
        %add3A_745 = arith.constant 3 : i32
        %add3A_746 = arith.addi %add3A_230, %add3A_745 : i32
        %swap3A_747 = arith.index_cast %add3A_746 : i32 to index
        %swap3A_748 = arith.constant 112 : index
        %swap3A_749 = tpu.vector_load %arg7[%swap3A_747, %swap3A_748] {strides = array<i32>} : memref<512x128xf32, #tpu.memory_space<vmem>>, vector<16xf32>,
        tpu.vector_store %arg7[%swap3A_747, %swap3A_748], %mul3A_744 {strides = array<i32>} : memref<512x128xf32, #tpu.memory_space<vmem>>, vector<16xf32>,
        %scan3A_750 = arith.constant 1 : i32
        %scan3A_751 = arith.addi %scan3A_227, %scan3A_750 : i32
        %mul3A_752 = arith.constant 4 : i32
        %mul3A_753 = arith.muli %scan3A_751, %mul3A_752 : i32
        %add3A_754 = arith.addi %multiple_of3A_200, %mul3A_753 : i32
        %add3A_755 = arith.constant 0 : i32
        %add3A_756 = arith.addi %add3A_754, %add3A_755 : i32
        %get3A_757 = arith.index_cast %add3A_756 : i32 to index
        %get3A_758 = arith.constant 0 : index
        %get3A_759 = tpu.vector_load %arg7[%get3A_757, %get3A_758] {strides = array<i32>} : memref<512x128xf32, #tpu.memory_space<vmem>>, vector<16xf32>,
        %add3A_760 = arith.constant 0 : i32
        %add3A_761 = arith.addi %add3A_754, %add3A_760 : i32
        %get3A_762 = arith.index_cast %add3A_761 : i32 to index
        %get3A_763 = arith.constant 16 : index
        %get3A_764 = tpu.vector_load %arg7[%get3A_762, %get3A_763] {strides = array<i32>} : memref<512x128xf32, #tpu.memory_space<vmem>>, vector<16xf32>,
        %add3A_765 = arith.constant 0 : i32
        %add3A_766 = arith.addi %add3A_754, %add3A_765 : i32
        %get3A_767 = arith.index_cast %add3A_766 : i32 to index
        %get3A_768 = arith.constant 32 : index
        %get3A_769 = tpu.vector_load %arg7[%get3A_767, %get3A_768] {strides = array<i32>} : memref<512x128xf32, #tpu.memory_space<vmem>>, vector<16xf32>,
        %add3A_770 = arith.constant 0 : i32
        %add3A_771 = arith.addi %add3A_754, %add3A_770 : i32
        %get3A_772 = arith.index_cast %add3A_771 : i32 to index
        %get3A_773 = arith.constant 48 : index
        %get3A_774 = tpu.vector_load %arg7[%get3A_772, %get3A_773] {strides = array<i32>} : memref<512x128xf32, #tpu.memory_space<vmem>>, vector<16xf32>,
        %add3A_775 = arith.constant 0 : i32
        %add3A_776 = arith.addi %add3A_754, %add3A_775 : i32
        %get3A_777 = arith.index_cast %add3A_776 : i32 to index
        %get3A_778 = arith.constant 64 : index
        %get3A_779 = tpu.vector_load %arg7[%get3A_777, %get3A_778] {strides = array<i32>} : memref<512x128xf32, #tpu.memory_space<vmem>>, vector<16xf32>,
        %add3A_780 = arith.constant 0 : i32
        %add3A_781 = arith.addi %add3A_754, %add3A_780 : i32
        %get3A_782 = arith.index_cast %add3A_781 : i32 to index
        %get3A_783 = arith.constant 80 : index
        %get3A_784 = tpu.vector_load %arg7[%get3A_782, %get3A_783] {strides = array<i32>} : memref<512x128xf32, #tpu.memory_space<vmem>>, vector<16xf32>,
        %add3A_785 = arith.constant 0 : i32
        %add3A_786 = arith.addi %add3A_754, %add3A_785 : i32
        %get3A_787 = arith.index_cast %add3A_786 : i32 to index
        %get3A_788 = arith.constant 96 : index
        %get3A_789 = tpu.vector_load %arg7[%get3A_787, %get3A_788] {strides = array<i32>} : memref<512x128xf32, #tpu.memory_space<vmem>>, vector<16xf32>,
        %add3A_790 = arith.constant 0 : i32
        %add3A_791 = arith.addi %add3A_754, %add3A_790 : i32
        %get3A_792 = arith.index_cast %add3A_791 : i32 to index
        %get3A_793 = arith.constant 112 : index
        %get3A_794 = tpu.vector_load %arg7[%get3A_792, %get3A_793] {strides = array<i32>} : memref<512x128xf32, #tpu.memory_space<vmem>>, vector<16xf32>,
        %add3A_795 = arith.constant 1 : i32
        %add3A_796 = arith.addi %add3A_754, %add3A_795 : i32
        %get3A_797 = arith.index_cast %add3A_796 : i32 to index
        %get3A_798 = arith.constant 0 : index
        %get3A_799 = tpu.vector_load %arg7[%get3A_797, %get3A_798] {strides = array<i32>} : memref<512x128xf32, #tpu.memory_space<vmem>>, vector<16xf32>,
        %add3A_800 = arith.constant 1 : i32
        %add3A_801 = arith.addi %add3A_754, %add3A_800 : i32
        %get3A_802 = arith.index_cast %add3A_801 : i32 to index
        %get3A_803 = arith.constant 16 : index
        %get3A_804 = tpu.vector_load %arg7[%get3A_802, %get3A_803] {strides = array<i32>} : memref<512x128xf32, #tpu.memory_space<vmem>>, vector<16xf32>,
        %add3A_805 = arith.constant 1 : i32
        %add3A_806 = arith.addi %add3A_754, %add3A_805 : i32
        %get3A_807 = arith.index_cast %add3A_806 : i32 to index
        %get3A_808 = arith.constant 32 : index
        %get3A_809 = tpu.vector_load %arg7[%get3A_807, %get3A_808] {strides = array<i32>} : memref<512x128xf32, #tpu.memory_space<vmem>>, vector<16xf32>,
        %add3A_810 = arith.constant 1 : i32
        %add3A_811 = arith.addi %add3A_754, %add3A_810 : i32
        %get3A_812 = arith.index_cast %add3A_811 : i32 to index
        %get3A_813 = arith.constant 48 : index
        %get3A_814 = tpu.vector_load %arg7[%get3A_812, %get3A_813] {strides = array<i32>} : memref<512x128xf32, #tpu.memory_space<vmem>>, vector<16xf32>,
        %add3A_815 = arith.constant 1 : i32
        %add3A_816 = arith.addi %add3A_754, %add3A_815 : i32
        %get3A_817 = arith.index_cast %add3A_816 : i32 to index
        %get3A_818 = arith.constant 64 : index
        %get3A_819 = tpu.vector_load %arg7[%get3A_817, %get3A_818] {strides = array<i32>} : memref<512x128xf32, #tpu.memory_space<vmem>>, vector<16xf32>,
        %add3A_820 = arith.constant 1 : i32
        %add3A_821 = arith.addi %add3A_754, %add3A_820 : i32
        %get3A_822 = arith.index_cast %add3A_821 : i32 to index
        %get3A_823 = arith.constant 80 : index
        %get3A_824 = tpu.vector_load %arg7[%get3A_822, %get3A_823] {strides = array<i32>} : memref<512x128xf32, #tpu.memory_space<vmem>>, vector<16xf32>,
        %add3A_825 = arith.constant 1 : i32
        %add3A_826 = arith.addi %add3A_754, %add3A_825 : i32
        %get3A_827 = arith.index_cast %add3A_826 : i32 to index
        %get3A_828 = arith.constant 96 : index
        %get3A_829 = tpu.vector_load %arg7[%get3A_827, %get3A_828] {strides = array<i32>} : memref<512x128xf32, #tpu.memory_space<vmem>>, vector<16xf32>,
        %add3A_830 = arith.constant 1 : i32
        %add3A_831 = arith.addi %add3A_754, %add3A_830 : i32
        %get3A_832 = arith.index_cast %add3A_831 : i32 to index
        %get3A_833 = arith.constant 112 : index
        %get3A_834 = tpu.vector_load %arg7[%get3A_832, %get3A_833] {strides = array<i32>} : memref<512x128xf32, #tpu.memory_space<vmem>>, vector<16xf32>,
        %add3A_835 = arith.constant 2 : i32
        %add3A_836 = arith.addi %add3A_754, %add3A_835 : i32
        %get3A_837 = arith.index_cast %add3A_836 : i32 to index
        %get3A_838 = arith.constant 0 : index
        %get3A_839 = tpu.vector_load %arg7[%get3A_837, %get3A_838] {strides = array<i32>} : memref<512x128xf32, #tpu.memory_space<vmem>>, vector<16xf32>,
        %add3A_840 = arith.constant 2 : i32
        %add3A_841 = arith.addi %add3A_754, %add3A_840 : i32
        %get3A_842 = arith.index_cast %add3A_841 : i32 to index
        %get3A_843 = arith.constant 16 : index
        %get3A_844 = tpu.vector_load %arg7[%get3A_842, %get3A_843] {strides = array<i32>} : memref<512x128xf32, #tpu.memory_space<vmem>>, vector<16xf32>,
        %add3A_845 = arith.constant 2 : i32
        %add3A_846 = arith.addi %add3A_754, %add3A_845 : i32
        %get3A_847 = arith.index_cast %add3A_846 : i32 to index
        %get3A_848 = arith.constant 32 : index
        %get3A_849 = tpu.vector_load %arg7[%get3A_847, %get3A_848] {strides = array<i32>} : memref<512x128xf32, #tpu.memory_space<vmem>>, vector<16xf32>,
        %add3A_850 = arith.constant 2 : i32
        %add3A_851 = arith.addi %add3A_754, %add3A_850 : i32
        %get3A_852 = arith.index_cast %add3A_851 : i32 to index
        %get3A_853 = arith.constant 48 : index
        %get3A_854 = tpu.vector_load %arg7[%get3A_852, %get3A_853] {strides = array<i32>} : memref<512x128xf32, #tpu.memory_space<vmem>>, vector<16xf32>,
        %add3A_855 = arith.constant 2 : i32
        %add3A_856 = arith.addi %add3A_754, %add3A_855 : i32
        %get3A_857 = arith.index_cast %add3A_856 : i32 to index
        %get3A_858 = arith.constant 64 : index
        %get3A_859 = tpu.vector_load %arg7[%get3A_857, %get3A_858] {strides = array<i32>} : memref<512x128xf32, #tpu.memory_space<vmem>>, vector<16xf32>,
        %add3A_860 = arith.constant 2 : i32
        %add3A_861 = arith.addi %add3A_754, %add3A_860 : i32
        %get3A_862 = arith.index_cast %add3A_861 : i32 to index
        %get3A_863 = arith.constant 80 : index
        %get3A_864 = tpu.vector_load %arg7[%get3A_862, %get3A_863] {strides = array<i32>} : memref<512x128xf32, #tpu.memory_space<vmem>>, vector<16xf32>,
        %add3A_865 = arith.constant 2 : i32
        %add3A_866 = arith.addi %add3A_754, %add3A_865 : i32
        %get3A_867 = arith.index_cast %add3A_866 : i32 to index
        %get3A_868 = arith.constant 96 : index
        %get3A_869 = tpu.vector_load %arg7[%get3A_867, %get3A_868] {strides = array<i32>} : memref<512x128xf32, #tpu.memory_space<vmem>>, vector<16xf32>,
        %add3A_870 = arith.constant 2 : i32
        %add3A_871 = arith.addi %add3A_754, %add3A_870 : i32
        %get3A_872 = arith.index_cast %add3A_871 : i32 to index
        %get3A_873 = arith.constant 112 : index
        %get3A_874 = tpu.vector_load %arg7[%get3A_872, %get3A_873] {strides = array<i32>} : memref<512x128xf32, #tpu.memory_space<vmem>>, vector<16xf32>,
        %add3A_875 = arith.constant 3 : i32
        %add3A_876 = arith.addi %add3A_754, %add3A_875 : i32
        %get3A_877 = arith.index_cast %add3A_876 : i32 to index
        %get3A_878 = arith.constant 0 : index
        %get3A_879 = tpu.vector_load %arg7[%get3A_877, %get3A_878] {strides = array<i32>} : memref<512x128xf32, #tpu.memory_space<vmem>>, vector<16xf32>,
        %add3A_880 = arith.constant 3 : i32
        %add3A_881 = arith.addi %add3A_754, %add3A_880 : i32
        %get3A_882 = arith.index_cast %add3A_881 : i32 to index
        %get3A_883 = arith.constant 16 : index
        %get3A_884 = tpu.vector_load %arg7[%get3A_882, %get3A_883] {strides = array<i32>} : memref<512x128xf32, #tpu.memory_space<vmem>>, vector<16xf32>,
        %add3A_885 = arith.constant 3 : i32
        %add3A_886 = arith.addi %add3A_754, %add3A_885 : i32
        %get3A_887 = arith.index_cast %add3A_886 : i32 to index
        %get3A_888 = arith.constant 32 : index
        %get3A_889 = tpu.vector_load %arg7[%get3A_887, %get3A_888] {strides = array<i32>} : memref<512x128xf32, #tpu.memory_space<vmem>>, vector<16xf32>,
        %add3A_890 = arith.constant 3 : i32
        %add3A_891 = arith.addi %add3A_754, %add3A_890 : i32
        %get3A_892 = arith.index_cast %add3A_891 : i32 to index
        %get3A_893 = arith.constant 48 : index
        %get3A_894 = tpu.vector_load %arg7[%get3A_892, %get3A_893] {strides = array<i32>} : memref<512x128xf32, #tpu.memory_space<vmem>>, vector<16xf32>,
        %add3A_895 = arith.constant 3 : i32
        %add3A_896 = arith.addi %add3A_754, %add3A_895 : i32
        %get3A_897 = arith.index_cast %add3A_896 : i32 to index
        %get3A_898 = arith.constant 64 : index
        %get3A_899 = tpu.vector_load %arg7[%get3A_897, %get3A_898] {strides = array<i32>} : memref<512x128xf32, #tpu.memory_space<vmem>>, vector<16xf32>,
        %add3A_900 = arith.constant 3 : i32
        %add3A_901 = arith.addi %add3A_754, %add3A_900 : i32
        %get3A_902 = arith.index_cast %add3A_901 : i32 to index
        %get3A_903 = arith.constant 80 : index
        %get3A_904 = tpu.vector_load %arg7[%get3A_902, %get3A_903] {strides = array<i32>} : memref<512x128xf32, #tpu.memory_space<vmem>>, vector<16xf32>,
        %add3A_905 = arith.constant 3 : i32
        %add3A_906 = arith.addi %add3A_754, %add3A_905 : i32
        %get3A_907 = arith.index_cast %add3A_906 : i32 to index
        %get3A_908 = arith.constant 96 : index
        %get3A_909 = tpu.vector_load %arg7[%get3A_907, %get3A_908] {strides = array<i32>} : memref<512x128xf32, #tpu.memory_space<vmem>>, vector<16xf32>,
        %add3A_910 = arith.constant 3 : i32
        %add3A_911 = arith.addi %add3A_754, %add3A_910 : i32
        %get3A_912 = arith.index_cast %add3A_911 : i32 to index
        %get3A_913 = arith.constant 112 : index
        %get3A_914 = tpu.vector_load %arg7[%get3A_912, %get3A_913] {strides = array<i32>} : memref<512x128xf32, #tpu.memory_space<vmem>>, vector<16xf32>,
        %broadcast_in_dim3A_915 = arith.constant 0.000000e+00 : f32
        %broadcast_in_dim3A_916 = vector.broadcast %broadcast_in_dim3A_915 : f32 to vector<16xf32>
        %mul3A_917 = arith.mulf %get3A_759, %get3A_759 : vector<16xf32>
        %mul3A_918 = arith.mulf %get3A_764, %get3A_764 : vector<16xf32>
        %mul3A_919 = arith.mulf %get3A_769, %get3A_769 : vector<16xf32>
        %mul3A_920 = arith.mulf %get3A_774, %get3A_774 : vector<16xf32>
        %mul3A_921 = arith.mulf %get3A_779, %get3A_779 : vector<16xf32>
        %mul3A_922 = arith.mulf %get3A_784, %get3A_784 : vector<16xf32>
        %mul3A_923 = arith.mulf %get3A_789, %get3A_789 : vector<16xf32>
        %mul3A_924 = arith.mulf %get3A_794, %get3A_794 : vector<16xf32>
        %add3A_925 = arith.addf %mul3A_917, %mul3A_918 : vector<16xf32>
        %add3A_926 = arith.addf %mul3A_919, %mul3A_920 : vector<16xf32>
        %add3A_927 = arith.addf %add3A_925, %add3A_926 : vector<16xf32>
        %add3A_928 = arith.addf %mul3A_921, %mul3A_922 : vector<16xf32>
        %add3A_929 = arith.addf %mul3A_923, %mul3A_924 : vector<16xf32>
        %add3A_930 = arith.addf %add3A_928, %add3A_929 : vector<16xf32>
        %add3A_931 = arith.addf %add3A_927, %add3A_930 : vector<16xf32>
        %eq3A_932 = arith.constant 0 : i32
        %eq3A_933 = vector.broadcast %eq3A_932 : i32 to vector<16xi32>
        %eq3A_934 = arith.cmpi eq, %iota3A, %eq3A_933 : vector<16xi32>
        %reduce_sum3A_935 = arith.constant true
        %reduce_sum3A_936 = vector.broadcast %reduce_sum3A_935 : i1 to vector<16xi1>
        %reduce_sum3A_937 = tpu.scan <sum>, %add3A_931 masked %reduce_sum3A_936 : vector<16xf32>, vector<16xi1> -> vector<16xf32>
        %reduce_sum3A_938 = vector.extract %reduce_sum3A_937[15] : f32 from vector<16xf32>
        %broadcast_in_dim3A_939 = vector.broadcast %reduce_sum3A_938 : f32 to vector<16xf32>
        %select_n3A_940 = arith.select %eq3A_934, %broadcast_in_dim3A_939, %broadcast_in_dim3A_916 : vector<16xi1>, vector<16xf32>
        %mul3A_941 = arith.mulf %get3A_799, %get3A_799 : vector<16xf32>
        %mul3A_942 = arith.mulf %get3A_804, %get3A_804 : vector<16xf32>
        %mul3A_943 = arith.mulf %get3A_809, %get3A_809 : vector<16xf32>
        %mul3A_944 = arith.mulf %get3A_814, %get3A_814 : vector<16xf32>
        %mul3A_945 = arith.mulf %get3A_819, %get3A_819 : vector<16xf32>
        %mul3A_946 = arith.mulf %get3A_824, %get3A_824 : vector<16xf32>
        %mul3A_947 = arith.mulf %get3A_829, %get3A_829 : vector<16xf32>
        %mul3A_948 = arith.mulf %get3A_834, %get3A_834 : vector<16xf32>
        %add3A_949 = arith.addf %mul3A_941, %mul3A_942 : vector<16xf32>
        %add3A_950 = arith.addf %mul3A_943, %mul3A_944 : vector<16xf32>
        %add3A_951 = arith.addf %add3A_949, %add3A_950 : vector<16xf32>
        %add3A_952 = arith.addf %mul3A_945, %mul3A_946 : vector<16xf32>
        %add3A_953 = arith.addf %mul3A_947, %mul3A_948 : vector<16xf32>
        %add3A_954 = arith.addf %add3A_952, %add3A_953 : vector<16xf32>
        %add3A_955 = arith.addf %add3A_951, %add3A_954 : vector<16xf32>
        %eq3A_956 = arith.constant 1 : i32
        %eq3A_957 = vector.broadcast %eq3A_956 : i32 to vector<16xi32>
        %eq3A_958 = arith.cmpi eq, %iota3A, %eq3A_957 : vector<16xi32>
        %reduce_sum3A_959 = arith.constant true
        %reduce_sum3A_960 = vector.broadcast %reduce_sum3A_959 : i1 to vector<16xi1>
        %reduce_sum3A_961 = tpu.scan <sum>, %add3A_955 masked %reduce_sum3A_960 : vector<16xf32>, vector<16xi1> -> vector<16xf32>
        %reduce_sum3A_962 = vector.extract %reduce_sum3A_961[15] : f32 from vector<16xf32>
        %broadcast_in_dim3A_963 = vector.broadcast %reduce_sum3A_962 : f32 to vector<16xf32>
        %select_n3A_964 = arith.select %eq3A_958, %broadcast_in_dim3A_963, %select_n3A_940 : vector<16xi1>, vector<16xf32>
        %mul3A_965 = arith.mulf %get3A_839, %get3A_839 : vector<16xf32>
        %mul3A_966 = arith.mulf %get3A_844, %get3A_844 : vector<16xf32>
        %mul3A_967 = arith.mulf %get3A_849, %get3A_849 : vector<16xf32>
        %mul3A_968 = arith.mulf %get3A_854, %get3A_854 : vector<16xf32>
        %mul3A_969 = arith.mulf %get3A_859, %get3A_859 : vector<16xf32>
        %mul3A_970 = arith.mulf %get3A_864, %get3A_864 : vector<16xf32>
        %mul3A_971 = arith.mulf %get3A_869, %get3A_869 : vector<16xf32>
        %mul3A_972 = arith.mulf %get3A_874, %get3A_874 : vector<16xf32>
        %add3A_973 = arith.addf %mul3A_965, %mul3A_966 : vector<16xf32>
        %add3A_974 = arith.addf %mul3A_967, %mul3A_968 : vector<16xf32>
        %add3A_975 = arith.addf %add3A_973, %add3A_974 : vector<16xf32>
        %add3A_976 = arith.addf %mul3A_969, %mul3A_970 : vector<16xf32>
        %add3A_977 = arith.addf %mul3A_971, %mul3A_972 : vector<16xf32>
        %add3A_978 = arith.addf %add3A_976, %add3A_977 : vector<16xf32>
        %add3A_979 = arith.addf %add3A_975, %add3A_978 : vector<16xf32>
        %eq3A_980 = arith.constant 2 : i32
        %eq3A_981 = vector.broadcast %eq3A_980 : i32 to vector<16xi32>
        %eq3A_982 = arith.cmpi eq, %iota3A, %eq3A_981 : vector<16xi32>
        %reduce_sum3A_983 = arith.constant true
        %reduce_sum3A_984 = vector.broadcast %reduce_sum3A_983 : i1 to vector<16xi1>
        %reduce_sum3A_985 = tpu.scan <sum>, %add3A_979 masked %reduce_sum3A_984 : vector<16xf32>, vector<16xi1> -> vector<16xf32>
        %reduce_sum3A_986 = vector.extract %reduce_sum3A_985[15] : f32 from vector<16xf32>
        %broadcast_in_dim3A_987 = vector.broadcast %reduce_sum3A_986 : f32 to vector<16xf32>
        %select_n3A_988 = arith.select %eq3A_982, %broadcast_in_dim3A_987, %select_n3A_964 : vector<16xi1>, vector<16xf32>
        %mul3A_989 = arith.mulf %get3A_879, %get3A_879 : vector<16xf32>
        %mul3A_990 = arith.mulf %get3A_884, %get3A_884 : vector<16xf32>
        %mul3A_991 = arith.mulf %get3A_889, %get3A_889 : vector<16xf32>
        %mul3A_992 = arith.mulf %get3A_894, %get3A_894 : vector<16xf32>
        %mul3A_993 = arith.mulf %get3A_899, %get3A_899 : vector<16xf32>
        %mul3A_994 = arith.mulf %get3A_904, %get3A_904 : vector<16xf32>
        %mul3A_995 = arith.mulf %get3A_909, %get3A_909 : vector<16xf32>
        %mul3A_996 = arith.mulf %get3A_914, %get3A_914 : vector<16xf32>
        %add3A_997 = arith.addf %mul3A_989, %mul3A_990 : vector<16xf32>
        %add3A_998 = arith.addf %mul3A_991, %mul3A_992 : vector<16xf32>
        %add3A_999 = arith.addf %add3A_997, %add3A_998 : vector<16xf32>
        %add3A_1000 = arith.addf %mul3A_993, %mul3A_994 : vector<16xf32>
        %add3A_1001 = arith.addf %mul3A_995, %mul3A_996 : vector<16xf32>
        %add3A_1002 = arith.addf %add3A_1000, %add3A_1001 : vector<16xf32>
        %add3A_1003 = arith.addf %add3A_999, %add3A_1002 : vector<16xf32>
        %eq3A_1004 = arith.constant 3 : i32
        %eq3A_1005 = vector.broadcast %eq3A_1004 : i32 to vector<16xi32>
        %eq3A_1006 = arith.cmpi eq, %iota3A, %eq3A_1005 : vector<16xi32>
        %reduce_sum3A_1007 = arith.constant true
        %reduce_sum3A_1008 = vector.broadcast %reduce_sum3A_1007 : i1 to vector<16xi1>
        %reduce_sum3A_1009 = tpu.scan <sum>, %add3A_1003 masked %reduce_sum3A_1008 : vector<16xf32>, vector<16xi1> -> vector<16xf32>
        %reduce_sum3A_1010 = vector.extract %reduce_sum3A_1009[15] : f32 from vector<16xf32>
        %broadcast_in_dim3A_1011 = vector.broadcast %reduce_sum3A_1010 : f32 to vector<16xf32>
        %select_n3A_1012 = arith.select %eq3A_1006, %broadcast_in_dim3A_1011, %select_n3A_988 : vector<16xi1>, vector<16xf32>
        %mul3A_1013 = arith.constant 7.812500e-03 : f32
        %mul3A_1014 = vector.broadcast %mul3A_1013 : f32 to vector<16xf32>
        %mul3A_1015 = arith.mulf %select_n3A_1012, %mul3A_1014 : vector<16xf32>
        %add3A_1016 = arith.constant 9.99999974E-6 : f32
        %add3A_1017 = vector.broadcast %add3A_1016 : f32 to vector<16xf32>
        %add3A_1018 = arith.addf %mul3A_1015, %add3A_1017 : vector<16xf32>
        %broadcast_in_dim3A_1019 = arith.constant 1597463007 : i32
        %broadcast_in_dim3A_1020 = vector.broadcast %broadcast_in_dim3A_1019 : i32 to vector<16xi32>
        %bitcast3A_1021 = vector.bitcast %add3A_1018 : vector<16xf32> to vector<16xi32>
        %shift_right_logical3A_1022 = arith.constant 1 : i32
        %shift_right_logical3A_1023 = vector.broadcast %shift_right_logical3A_1022 : i32 to vector<16xi32>
        %shift_right_logical3A_1024 = arith.shrui %bitcast3A_1021, %shift_right_logical3A_1023 : vector<16xi32>
        %sub3A_1025 = arith.subi %broadcast_in_dim3A_1020, %shift_right_logical3A_1024 : vector<16xi32>
        %bitcast3A_1026 = vector.bitcast %sub3A_1025 : vector<16xi32> to vector<16xf32>
        %mul3A_1027 = arith.constant 5.000000e-01 : f32
        %mul3A_1028 = vector.broadcast %mul3A_1027 : f32 to vector<16xf32>
        %mul3A_1029 = arith.mulf %mul3A_1028, %add3A_1018 : vector<16xf32>
        %mul3A_1030 = arith.mulf %mul3A_1029, %bitcast3A_1026 : vector<16xf32>
        %mul3A_1031 = arith.mulf %mul3A_1030, %bitcast3A_1026 : vector<16xf32>
        %sub3A_1032 = arith.constant 1.500000e+00 : f32
        %sub3A_1033 = vector.broadcast %sub3A_1032 : f32 to vector<16xf32>
        %sub3A_1034 = arith.subf %sub3A_1033, %mul3A_1031 : vector<16xf32>
        %mul3A_1035 = arith.mulf %bitcast3A_1026, %sub3A_1034 : vector<16xf32>
        %mul3A_1036 = arith.constant 5.000000e-01 : f32
        %mul3A_1037 = vector.broadcast %mul3A_1036 : f32 to vector<16xf32>
        %mul3A_1038 = arith.mulf %mul3A_1037, %add3A_1018 : vector<16xf32>
        %mul3A_1039 = arith.mulf %mul3A_1038, %mul3A_1035 : vector<16xf32>
        %mul3A_1040 = arith.mulf %mul3A_1039, %mul3A_1035 : vector<16xf32>
        %sub3A_1041 = arith.constant 1.500000e+00 : f32
        %sub3A_1042 = vector.broadcast %sub3A_1041 : f32 to vector<16xf32>
        %sub3A_1043 = arith.subf %sub3A_1042, %mul3A_1040 : vector<16xf32>
        %mul3A_1044 = arith.mulf %mul3A_1035, %sub3A_1043 : vector<16xf32>
        %slice3A_1045 = vector.extract_strided_slice %mul3A_1044 {offsets = [0], sizes = [1], strides = [1]} : vector<16xf32> to vector<1xf32>
        %squeeze3A_1046 = vector.extract %slice3A_1045[0] : f32 from vector<1xf32>
        %broadcast_in_dim3A_1047 = vector.broadcast %squeeze3A_1046 : f32 to vector<16xf32>
        %mul3A_1048 = arith.mulf %get3A_759, %broadcast_in_dim3A_1047 : vector<16xf32>
        %mul3A_1049 = arith.mulf %mul3A_1048, %get3A_33 : vector<16xf32>
        %add3A_1050 = arith.constant 0 : i32
        %add3A_1051 = arith.addi %add3A_754, %add3A_1050 : i32
        %swap3A_1052 = arith.index_cast %add3A_1051 : i32 to index
        %swap3A_1053 = arith.constant 0 : index
        %swap3A_1054 = tpu.vector_load %arg7[%swap3A_1052, %swap3A_1053] {strides = array<i32>} : memref<512x128xf32, #tpu.memory_space<vmem>>, vector<16xf32>,
        tpu.vector_store %arg7[%swap3A_1052, %swap3A_1053], %mul3A_1049 {strides = array<i32>} : memref<512x128xf32, #tpu.memory_space<vmem>>, vector<16xf32>,
        %mul3A_1055 = arith.mulf %get3A_764, %broadcast_in_dim3A_1047 : vector<16xf32>
        %mul3A_1056 = arith.mulf %mul3A_1055, %get3A_35 : vector<16xf32>
        %add3A_1057 = arith.constant 0 : i32
        %add3A_1058 = arith.addi %add3A_754, %add3A_1057 : i32
        %swap3A_1059 = arith.index_cast %add3A_1058 : i32 to index
        %swap3A_1060 = arith.constant 16 : index
        %swap3A_1061 = tpu.vector_load %arg7[%swap3A_1059, %swap3A_1060] {strides = array<i32>} : memref<512x128xf32, #tpu.memory_space<vmem>>, vector<16xf32>,
        tpu.vector_store %arg7[%swap3A_1059, %swap3A_1060], %mul3A_1056 {strides = array<i32>} : memref<512x128xf32, #tpu.memory_space<vmem>>, vector<16xf32>,
        %mul3A_1062 = arith.mulf %get3A_769, %broadcast_in_dim3A_1047 : vector<16xf32>
        %mul3A_1063 = arith.mulf %mul3A_1062, %get3A_37 : vector<16xf32>
        %add3A_1064 = arith.constant 0 : i32
        %add3A_1065 = arith.addi %add3A_754, %add3A_1064 : i32
        %swap3A_1066 = arith.index_cast %add3A_1065 : i32 to index
        %swap3A_1067 = arith.constant 32 : index
        %swap3A_1068 = tpu.vector_load %arg7[%swap3A_1066, %swap3A_1067] {strides = array<i32>} : memref<512x128xf32, #tpu.memory_space<vmem>>, vector<16xf32>,
        tpu.vector_store %arg7[%swap3A_1066, %swap3A_1067], %mul3A_1063 {strides = array<i32>} : memref<512x128xf32, #tpu.memory_space<vmem>>, vector<16xf32>,
        %mul3A_1069 = arith.mulf %get3A_774, %broadcast_in_dim3A_1047 : vector<16xf32>
        %mul3A_1070 = arith.mulf %mul3A_1069, %get3A_39 : vector<16xf32>
        %add3A_1071 = arith.constant 0 : i32
        %add3A_1072 = arith.addi %add3A_754, %add3A_1071 : i32
        %swap3A_1073 = arith.index_cast %add3A_1072 : i32 to index
        %swap3A_1074 = arith.constant 48 : index
        %swap3A_1075 = tpu.vector_load %arg7[%swap3A_1073, %swap3A_1074] {strides = array<i32>} : memref<512x128xf32, #tpu.memory_space<vmem>>, vector<16xf32>,
        tpu.vector_store %arg7[%swap3A_1073, %swap3A_1074], %mul3A_1070 {strides = array<i32>} : memref<512x128xf32, #tpu.memory_space<vmem>>, vector<16xf32>,
        %mul3A_1076 = arith.mulf %get3A_779, %broadcast_in_dim3A_1047 : vector<16xf32>
        %mul3A_1077 = arith.mulf %mul3A_1076, %get3A_41 : vector<16xf32>
        %add3A_1078 = arith.constant 0 : i32
        %add3A_1079 = arith.addi %add3A_754, %add3A_1078 : i32
        %swap3A_1080 = arith.index_cast %add3A_1079 : i32 to index
        %swap3A_1081 = arith.constant 64 : index
        %swap3A_1082 = tpu.vector_load %arg7[%swap3A_1080, %swap3A_1081] {strides = array<i32>} : memref<512x128xf32, #tpu.memory_space<vmem>>, vector<16xf32>,
        tpu.vector_store %arg7[%swap3A_1080, %swap3A_1081], %mul3A_1077 {strides = array<i32>} : memref<512x128xf32, #tpu.memory_space<vmem>>, vector<16xf32>,
        %mul3A_1083 = arith.mulf %get3A_784, %broadcast_in_dim3A_1047 : vector<16xf32>
        %mul3A_1084 = arith.mulf %mul3A_1083, %get3A_43 : vector<16xf32>
        %add3A_1085 = arith.constant 0 : i32
        %add3A_1086 = arith.addi %add3A_754, %add3A_1085 : i32
        %swap3A_1087 = arith.index_cast %add3A_1086 : i32 to index
        %swap3A_1088 = arith.constant 80 : index
        %swap3A_1089 = tpu.vector_load %arg7[%swap3A_1087, %swap3A_1088] {strides = array<i32>} : memref<512x128xf32, #tpu.memory_space<vmem>>, vector<16xf32>,
        tpu.vector_store %arg7[%swap3A_1087, %swap3A_1088], %mul3A_1084 {strides = array<i32>} : memref<512x128xf32, #tpu.memory_space<vmem>>, vector<16xf32>,
        %mul3A_1090 = arith.mulf %get3A_789, %broadcast_in_dim3A_1047 : vector<16xf32>
        %mul3A_1091 = arith.mulf %mul3A_1090, %get3A_45 : vector<16xf32>
        %add3A_1092 = arith.constant 0 : i32
        %add3A_1093 = arith.addi %add3A_754, %add3A_1092 : i32
        %swap3A_1094 = arith.index_cast %add3A_1093 : i32 to index
        %swap3A_1095 = arith.constant 96 : index
        %swap3A_1096 = tpu.vector_load %arg7[%swap3A_1094, %swap3A_1095] {strides = array<i32>} : memref<512x128xf32, #tpu.memory_space<vmem>>, vector<16xf32>,
        tpu.vector_store %arg7[%swap3A_1094, %swap3A_1095], %mul3A_1091 {strides = array<i32>} : memref<512x128xf32, #tpu.memory_space<vmem>>, vector<16xf32>,
        %mul3A_1097 = arith.mulf %get3A_794, %broadcast_in_dim3A_1047 : vector<16xf32>
        %mul3A_1098 = arith.mulf %mul3A_1097, %get3A_47 : vector<16xf32>
        %add3A_1099 = arith.constant 0 : i32
        %add3A_1100 = arith.addi %add3A_754, %add3A_1099 : i32
        %swap3A_1101 = arith.index_cast %add3A_1100 : i32 to index
        %swap3A_1102 = arith.constant 112 : index
        %swap3A_1103 = tpu.vector_load %arg7[%swap3A_1101, %swap3A_1102] {strides = array<i32>} : memref<512x128xf32, #tpu.memory_space<vmem>>, vector<16xf32>,
        tpu.vector_store %arg7[%swap3A_1101, %swap3A_1102], %mul3A_1098 {strides = array<i32>} : memref<512x128xf32, #tpu.memory_space<vmem>>, vector<16xf32>,
        %slice3A_1104 = vector.extract_strided_slice %mul3A_1044 {offsets = [1], sizes = [1], strides = [1]} : vector<16xf32> to vector<1xf32>
        %squeeze3A_1105 = vector.extract %slice3A_1104[0] : f32 from vector<1xf32>
        %broadcast_in_dim3A_1106 = vector.broadcast %squeeze3A_1105 : f32 to vector<16xf32>
        %mul3A_1107 = arith.mulf %get3A_799, %broadcast_in_dim3A_1106 : vector<16xf32>
        %mul3A_1108 = arith.mulf %mul3A_1107, %get3A_33 : vector<16xf32>
        %add3A_1109 = arith.constant 1 : i32
        %add3A_1110 = arith.addi %add3A_754, %add3A_1109 : i32
        %swap3A_1111 = arith.index_cast %add3A_1110 : i32 to index
        %swap3A_1112 = arith.constant 0 : index
        %swap3A_1113 = tpu.vector_load %arg7[%swap3A_1111, %swap3A_1112] {strides = array<i32>} : memref<512x128xf32, #tpu.memory_space<vmem>>, vector<16xf32>,
        tpu.vector_store %arg7[%swap3A_1111, %swap3A_1112], %mul3A_1108 {strides = array<i32>} : memref<512x128xf32, #tpu.memory_space<vmem>>, vector<16xf32>,
        %mul3A_1114 = arith.mulf %get3A_804, %broadcast_in_dim3A_1106 : vector<16xf32>
        %mul3A_1115 = arith.mulf %mul3A_1114, %get3A_35 : vector<16xf32>
        %add3A_1116 = arith.constant 1 : i32
        %add3A_1117 = arith.addi %add3A_754, %add3A_1116 : i32
        %swap3A_1118 = arith.index_cast %add3A_1117 : i32 to index
        %swap3A_1119 = arith.constant 16 : index
        %swap3A_1120 = tpu.vector_load %arg7[%swap3A_1118, %swap3A_1119] {strides = array<i32>} : memref<512x128xf32, #tpu.memory_space<vmem>>, vector<16xf32>,
        tpu.vector_store %arg7[%swap3A_1118, %swap3A_1119], %mul3A_1115 {strides = array<i32>} : memref<512x128xf32, #tpu.memory_space<vmem>>, vector<16xf32>,
        %mul3A_1121 = arith.mulf %get3A_809, %broadcast_in_dim3A_1106 : vector<16xf32>
        %mul3A_1122 = arith.mulf %mul3A_1121, %get3A_37 : vector<16xf32>
        %add3A_1123 = arith.constant 1 : i32
        %add3A_1124 = arith.addi %add3A_754, %add3A_1123 : i32
        %swap3A_1125 = arith.index_cast %add3A_1124 : i32 to index
        %swap3A_1126 = arith.constant 32 : index
        %swap3A_1127 = tpu.vector_load %arg7[%swap3A_1125, %swap3A_1126] {strides = array<i32>} : memref<512x128xf32, #tpu.memory_space<vmem>>, vector<16xf32>,
        tpu.vector_store %arg7[%swap3A_1125, %swap3A_1126], %mul3A_1122 {strides = array<i32>} : memref<512x128xf32, #tpu.memory_space<vmem>>, vector<16xf32>,
        %mul3A_1128 = arith.mulf %get3A_814, %broadcast_in_dim3A_1106 : vector<16xf32>
        %mul3A_1129 = arith.mulf %mul3A_1128, %get3A_39 : vector<16xf32>
        %add3A_1130 = arith.constant 1 : i32
        %add3A_1131 = arith.addi %add3A_754, %add3A_1130 : i32
        %swap3A_1132 = arith.index_cast %add3A_1131 : i32 to index
        %swap3A_1133 = arith.constant 48 : index
        %swap3A_1134 = tpu.vector_load %arg7[%swap3A_1132, %swap3A_1133] {strides = array<i32>} : memref<512x128xf32, #tpu.memory_space<vmem>>, vector<16xf32>,
        tpu.vector_store %arg7[%swap3A_1132, %swap3A_1133], %mul3A_1129 {strides = array<i32>} : memref<512x128xf32, #tpu.memory_space<vmem>>, vector<16xf32>,
        %mul3A_1135 = arith.mulf %get3A_819, %broadcast_in_dim3A_1106 : vector<16xf32>
        %mul3A_1136 = arith.mulf %mul3A_1135, %get3A_41 : vector<16xf32>
        %add3A_1137 = arith.constant 1 : i32
        %add3A_1138 = arith.addi %add3A_754, %add3A_1137 : i32
        %swap3A_1139 = arith.index_cast %add3A_1138 : i32 to index
        %swap3A_1140 = arith.constant 64 : index
        %swap3A_1141 = tpu.vector_load %arg7[%swap3A_1139, %swap3A_1140] {strides = array<i32>} : memref<512x128xf32, #tpu.memory_space<vmem>>, vector<16xf32>,
        tpu.vector_store %arg7[%swap3A_1139, %swap3A_1140], %mul3A_1136 {strides = array<i32>} : memref<512x128xf32, #tpu.memory_space<vmem>>, vector<16xf32>,
        %mul3A_1142 = arith.mulf %get3A_824, %broadcast_in_dim3A_1106 : vector<16xf32>
        %mul3A_1143 = arith.mulf %mul3A_1142, %get3A_43 : vector<16xf32>
        %add3A_1144 = arith.constant 1 : i32
        %add3A_1145 = arith.addi %add3A_754, %add3A_1144 : i32
        %swap3A_1146 = arith.index_cast %add3A_1145 : i32 to index
        %swap3A_1147 = arith.constant 80 : index
        %swap3A_1148 = tpu.vector_load %arg7[%swap3A_1146, %swap3A_1147] {strides = array<i32>} : memref<512x128xf32, #tpu.memory_space<vmem>>, vector<16xf32>,
        tpu.vector_store %arg7[%swap3A_1146, %swap3A_1147], %mul3A_1143 {strides = array<i32>} : memref<512x128xf32, #tpu.memory_space<vmem>>, vector<16xf32>,
        %mul3A_1149 = arith.mulf %get3A_829, %broadcast_in_dim3A_1106 : vector<16xf32>
        %mul3A_1150 = arith.mulf %mul3A_1149, %get3A_45 : vector<16xf32>
        %add3A_1151 = arith.constant 1 : i32
        %add3A_1152 = arith.addi %add3A_754, %add3A_1151 : i32
        %swap3A_1153 = arith.index_cast %add3A_1152 : i32 to index
        %swap3A_1154 = arith.constant 96 : index
        %swap3A_1155 = tpu.vector_load %arg7[%swap3A_1153, %swap3A_1154] {strides = array<i32>} : memref<512x128xf32, #tpu.memory_space<vmem>>, vector<16xf32>,
        tpu.vector_store %arg7[%swap3A_1153, %swap3A_1154], %mul3A_1150 {strides = array<i32>} : memref<512x128xf32, #tpu.memory_space<vmem>>, vector<16xf32>,
        %mul3A_1156 = arith.mulf %get3A_834, %broadcast_in_dim3A_1106 : vector<16xf32>
        %mul3A_1157 = arith.mulf %mul3A_1156, %get3A_47 : vector<16xf32>
        %add3A_1158 = arith.constant 1 : i32
        %add3A_1159 = arith.addi %add3A_754, %add3A_1158 : i32
        %swap3A_1160 = arith.index_cast %add3A_1159 : i32 to index
        %swap3A_1161 = arith.constant 112 : index
        %swap3A_1162 = tpu.vector_load %arg7[%swap3A_1160, %swap3A_1161] {strides = array<i32>} : memref<512x128xf32, #tpu.memory_space<vmem>>, vector<16xf32>,
        tpu.vector_store %arg7[%swap3A_1160, %swap3A_1161], %mul3A_1157 {strides = array<i32>} : memref<512x128xf32, #tpu.memory_space<vmem>>, vector<16xf32>,
        %slice3A_1163 = vector.extract_strided_slice %mul3A_1044 {offsets = [2], sizes = [1], strides = [1]} : vector<16xf32> to vector<1xf32>
        %squeeze3A_1164 = vector.extract %slice3A_1163[0] : f32 from vector<1xf32>
        %broadcast_in_dim3A_1165 = vector.broadcast %squeeze3A_1164 : f32 to vector<16xf32>
        %mul3A_1166 = arith.mulf %get3A_839, %broadcast_in_dim3A_1165 : vector<16xf32>
        %mul3A_1167 = arith.mulf %mul3A_1166, %get3A_33 : vector<16xf32>
        %add3A_1168 = arith.constant 2 : i32
        %add3A_1169 = arith.addi %add3A_754, %add3A_1168 : i32
        %swap3A_1170 = arith.index_cast %add3A_1169 : i32 to index
        %swap3A_1171 = arith.constant 0 : index
        %swap3A_1172 = tpu.vector_load %arg7[%swap3A_1170, %swap3A_1171] {strides = array<i32>} : memref<512x128xf32, #tpu.memory_space<vmem>>, vector<16xf32>,
        tpu.vector_store %arg7[%swap3A_1170, %swap3A_1171], %mul3A_1167 {strides = array<i32>} : memref<512x128xf32, #tpu.memory_space<vmem>>, vector<16xf32>,
        %mul3A_1173 = arith.mulf %get3A_844, %broadcast_in_dim3A_1165 : vector<16xf32>
        %mul3A_1174 = arith.mulf %mul3A_1173, %get3A_35 : vector<16xf32>
        %add3A_1175 = arith.constant 2 : i32
        %add3A_1176 = arith.addi %add3A_754, %add3A_1175 : i32
        %swap3A_1177 = arith.index_cast %add3A_1176 : i32 to index
        %swap3A_1178 = arith.constant 16 : index
        %swap3A_1179 = tpu.vector_load %arg7[%swap3A_1177, %swap3A_1178] {strides = array<i32>} : memref<512x128xf32, #tpu.memory_space<vmem>>, vector<16xf32>,
        tpu.vector_store %arg7[%swap3A_1177, %swap3A_1178], %mul3A_1174 {strides = array<i32>} : memref<512x128xf32, #tpu.memory_space<vmem>>, vector<16xf32>,
        %mul3A_1180 = arith.mulf %get3A_849, %broadcast_in_dim3A_1165 : vector<16xf32>
        %mul3A_1181 = arith.mulf %mul3A_1180, %get3A_37 : vector<16xf32>
        %add3A_1182 = arith.constant 2 : i32
        %add3A_1183 = arith.addi %add3A_754, %add3A_1182 : i32
        %swap3A_1184 = arith.index_cast %add3A_1183 : i32 to index
        %swap3A_1185 = arith.constant 32 : index
        %swap3A_1186 = tpu.vector_load %arg7[%swap3A_1184, %swap3A_1185] {strides = array<i32>} : memref<512x128xf32, #tpu.memory_space<vmem>>, vector<16xf32>,
        tpu.vector_store %arg7[%swap3A_1184, %swap3A_1185], %mul3A_1181 {strides = array<i32>} : memref<512x128xf32, #tpu.memory_space<vmem>>, vector<16xf32>,
        %mul3A_1187 = arith.mulf %get3A_854, %broadcast_in_dim3A_1165 : vector<16xf32>
        %mul3A_1188 = arith.mulf %mul3A_1187, %get3A_39 : vector<16xf32>
        %add3A_1189 = arith.constant 2 : i32
        %add3A_1190 = arith.addi %add3A_754, %add3A_1189 : i32
        %swap3A_1191 = arith.index_cast %add3A_1190 : i32 to index
        %swap3A_1192 = arith.constant 48 : index
        %swap3A_1193 = tpu.vector_load %arg7[%swap3A_1191, %swap3A_1192] {strides = array<i32>} : memref<512x128xf32, #tpu.memory_space<vmem>>, vector<16xf32>,
        tpu.vector_store %arg7[%swap3A_1191, %swap3A_1192], %mul3A_1188 {strides = array<i32>} : memref<512x128xf32, #tpu.memory_space<vmem>>, vector<16xf32>,
        %mul3A_1194 = arith.mulf %get3A_859, %broadcast_in_dim3A_1165 : vector<16xf32>
        %mul3A_1195 = arith.mulf %mul3A_1194, %get3A_41 : vector<16xf32>
        %add3A_1196 = arith.constant 2 : i32
        %add3A_1197 = arith.addi %add3A_754, %add3A_1196 : i32
        %swap3A_1198 = arith.index_cast %add3A_1197 : i32 to index
        %swap3A_1199 = arith.constant 64 : index
        %swap3A_1200 = tpu.vector_load %arg7[%swap3A_1198, %swap3A_1199] {strides = array<i32>} : memref<512x128xf32, #tpu.memory_space<vmem>>, vector<16xf32>,
        tpu.vector_store %arg7[%swap3A_1198, %swap3A_1199], %mul3A_1195 {strides = array<i32>} : memref<512x128xf32, #tpu.memory_space<vmem>>, vector<16xf32>,
        %mul3A_1201 = arith.mulf %get3A_864, %broadcast_in_dim3A_1165 : vector<16xf32>
        %mul3A_1202 = arith.mulf %mul3A_1201, %get3A_43 : vector<16xf32>
        %add3A_1203 = arith.constant 2 : i32
        %add3A_1204 = arith.addi %add3A_754, %add3A_1203 : i32
        %swap3A_1205 = arith.index_cast %add3A_1204 : i32 to index
        %swap3A_1206 = arith.constant 80 : index
        %swap3A_1207 = tpu.vector_load %arg7[%swap3A_1205, %swap3A_1206] {strides = array<i32>} : memref<512x128xf32, #tpu.memory_space<vmem>>, vector<16xf32>,
        tpu.vector_store %arg7[%swap3A_1205, %swap3A_1206], %mul3A_1202 {strides = array<i32>} : memref<512x128xf32, #tpu.memory_space<vmem>>, vector<16xf32>,
        %mul3A_1208 = arith.mulf %get3A_869, %broadcast_in_dim3A_1165 : vector<16xf32>
        %mul3A_1209 = arith.mulf %mul3A_1208, %get3A_45 : vector<16xf32>
        %add3A_1210 = arith.constant 2 : i32
        %add3A_1211 = arith.addi %add3A_754, %add3A_1210 : i32
        %swap3A_1212 = arith.index_cast %add3A_1211 : i32 to index
        %swap3A_1213 = arith.constant 96 : index
        %swap3A_1214 = tpu.vector_load %arg7[%swap3A_1212, %swap3A_1213] {strides = array<i32>} : memref<512x128xf32, #tpu.memory_space<vmem>>, vector<16xf32>,
        tpu.vector_store %arg7[%swap3A_1212, %swap3A_1213], %mul3A_1209 {strides = array<i32>} : memref<512x128xf32, #tpu.memory_space<vmem>>, vector<16xf32>,
        %mul3A_1215 = arith.mulf %get3A_874, %broadcast_in_dim3A_1165 : vector<16xf32>
        %mul3A_1216 = arith.mulf %mul3A_1215, %get3A_47 : vector<16xf32>
        %add3A_1217 = arith.constant 2 : i32
        %add3A_1218 = arith.addi %add3A_754, %add3A_1217 : i32
        %swap3A_1219 = arith.index_cast %add3A_1218 : i32 to index
        %swap3A_1220 = arith.constant 112 : index
        %swap3A_1221 = tpu.vector_load %arg7[%swap3A_1219, %swap3A_1220] {strides = array<i32>} : memref<512x128xf32, #tpu.memory_space<vmem>>, vector<16xf32>,
        tpu.vector_store %arg7[%swap3A_1219, %swap3A_1220], %mul3A_1216 {strides = array<i32>} : memref<512x128xf32, #tpu.memory_space<vmem>>, vector<16xf32>,
        %slice3A_1222 = vector.extract_strided_slice %mul3A_1044 {offsets = [3], sizes = [1], strides = [1]} : vector<16xf32> to vector<1xf32>
        %squeeze3A_1223 = vector.extract %slice3A_1222[0] : f32 from vector<1xf32>
        %broadcast_in_dim3A_1224 = vector.broadcast %squeeze3A_1223 : f32 to vector<16xf32>
        %mul3A_1225 = arith.mulf %get3A_879, %broadcast_in_dim3A_1224 : vector<16xf32>
        %mul3A_1226 = arith.mulf %mul3A_1225, %get3A_33 : vector<16xf32>
        %add3A_1227 = arith.constant 3 : i32
        %add3A_1228 = arith.addi %add3A_754, %add3A_1227 : i32
        %swap3A_1229 = arith.index_cast %add3A_1228 : i32 to index
        %swap3A_1230 = arith.constant 0 : index
        %swap3A_1231 = tpu.vector_load %arg7[%swap3A_1229, %swap3A_1230] {strides = array<i32>} : memref<512x128xf32, #tpu.memory_space<vmem>>, vector<16xf32>,
        tpu.vector_store %arg7[%swap3A_1229, %swap3A_1230], %mul3A_1226 {strides = array<i32>} : memref<512x128xf32, #tpu.memory_space<vmem>>, vector<16xf32>,
        %mul3A_1232 = arith.mulf %get3A_884, %broadcast_in_dim3A_1224 : vector<16xf32>
        %mul3A_1233 = arith.mulf %mul3A_1232, %get3A_35 : vector<16xf32>
        %add3A_1234 = arith.constant 3 : i32
        %add3A_1235 = arith.addi %add3A_754, %add3A_1234 : i32
        %swap3A_1236 = arith.index_cast %add3A_1235 : i32 to index
        %swap3A_1237 = arith.constant 16 : index
        %swap3A_1238 = tpu.vector_load %arg7[%swap3A_1236, %swap3A_1237] {strides = array<i32>} : memref<512x128xf32, #tpu.memory_space<vmem>>, vector<16xf32>,
        tpu.vector_store %arg7[%swap3A_1236, %swap3A_1237], %mul3A_1233 {strides = array<i32>} : memref<512x128xf32, #tpu.memory_space<vmem>>, vector<16xf32>,
        %mul3A_1239 = arith.mulf %get3A_889, %broadcast_in_dim3A_1224 : vector<16xf32>
        %mul3A_1240 = arith.mulf %mul3A_1239, %get3A_37 : vector<16xf32>
        %add3A_1241 = arith.constant 3 : i32
        %add3A_1242 = arith.addi %add3A_754, %add3A_1241 : i32
        %swap3A_1243 = arith.index_cast %add3A_1242 : i32 to index
        %swap3A_1244 = arith.constant 32 : index
        %swap3A_1245 = tpu.vector_load %arg7[%swap3A_1243, %swap3A_1244] {strides = array<i32>} : memref<512x128xf32, #tpu.memory_space<vmem>>, vector<16xf32>,
        tpu.vector_store %arg7[%swap3A_1243, %swap3A_1244], %mul3A_1240 {strides = array<i32>} : memref<512x128xf32, #tpu.memory_space<vmem>>, vector<16xf32>,
        %mul3A_1246 = arith.mulf %get3A_894, %broadcast_in_dim3A_1224 : vector<16xf32>
        %mul3A_1247 = arith.mulf %mul3A_1246, %get3A_39 : vector<16xf32>
        %add3A_1248 = arith.constant 3 : i32
        %add3A_1249 = arith.addi %add3A_754, %add3A_1248 : i32
        %swap3A_1250 = arith.index_cast %add3A_1249 : i32 to index
        %swap3A_1251 = arith.constant 48 : index
        %swap3A_1252 = tpu.vector_load %arg7[%swap3A_1250, %swap3A_1251] {strides = array<i32>} : memref<512x128xf32, #tpu.memory_space<vmem>>, vector<16xf32>,
        tpu.vector_store %arg7[%swap3A_1250, %swap3A_1251], %mul3A_1247 {strides = array<i32>} : memref<512x128xf32, #tpu.memory_space<vmem>>, vector<16xf32>,
        %mul3A_1253 = arith.mulf %get3A_899, %broadcast_in_dim3A_1224 : vector<16xf32>
        %mul3A_1254 = arith.mulf %mul3A_1253, %get3A_41 : vector<16xf32>
        %add3A_1255 = arith.constant 3 : i32
        %add3A_1256 = arith.addi %add3A_754, %add3A_1255 : i32
        %swap3A_1257 = arith.index_cast %add3A_1256 : i32 to index
        %swap3A_1258 = arith.constant 64 : index
        %swap3A_1259 = tpu.vector_load %arg7[%swap3A_1257, %swap3A_1258] {strides = array<i32>} : memref<512x128xf32, #tpu.memory_space<vmem>>, vector<16xf32>,
        tpu.vector_store %arg7[%swap3A_1257, %swap3A_1258], %mul3A_1254 {strides = array<i32>} : memref<512x128xf32, #tpu.memory_space<vmem>>, vector<16xf32>,
        %mul3A_1260 = arith.mulf %get3A_904, %broadcast_in_dim3A_1224 : vector<16xf32>
        %mul3A_1261 = arith.mulf %mul3A_1260, %get3A_43 : vector<16xf32>
        %add3A_1262 = arith.constant 3 : i32
        %add3A_1263 = arith.addi %add3A_754, %add3A_1262 : i32
        %swap3A_1264 = arith.index_cast %add3A_1263 : i32 to index
        %swap3A_1265 = arith.constant 80 : index
        %swap3A_1266 = tpu.vector_load %arg7[%swap3A_1264, %swap3A_1265] {strides = array<i32>} : memref<512x128xf32, #tpu.memory_space<vmem>>, vector<16xf32>,
        tpu.vector_store %arg7[%swap3A_1264, %swap3A_1265], %mul3A_1261 {strides = array<i32>} : memref<512x128xf32, #tpu.memory_space<vmem>>, vector<16xf32>,
        %mul3A_1267 = arith.mulf %get3A_909, %broadcast_in_dim3A_1224 : vector<16xf32>
        %mul3A_1268 = arith.mulf %mul3A_1267, %get3A_45 : vector<16xf32>
        %add3A_1269 = arith.constant 3 : i32
        %add3A_1270 = arith.addi %add3A_754, %add3A_1269 : i32
        %swap3A_1271 = arith.index_cast %add3A_1270 : i32 to index
        %swap3A_1272 = arith.constant 96 : index
        %swap3A_1273 = tpu.vector_load %arg7[%swap3A_1271, %swap3A_1272] {strides = array<i32>} : memref<512x128xf32, #tpu.memory_space<vmem>>, vector<16xf32>,
        tpu.vector_store %arg7[%swap3A_1271, %swap3A_1272], %mul3A_1268 {strides = array<i32>} : memref<512x128xf32, #tpu.memory_space<vmem>>, vector<16xf32>,
        %mul3A_1274 = arith.mulf %get3A_914, %broadcast_in_dim3A_1224 : vector<16xf32>
        %mul3A_1275 = arith.mulf %mul3A_1274, %get3A_47 : vector<16xf32>
        %add3A_1276 = arith.constant 3 : i32
        %add3A_1277 = arith.addi %add3A_754, %add3A_1276 : i32
        %swap3A_1278 = arith.index_cast %add3A_1277 : i32 to index
        %swap3A_1279 = arith.constant 112 : index
        %swap3A_1280 = tpu.vector_load %arg7[%swap3A_1278, %swap3A_1279] {strides = array<i32>} : memref<512x128xf32, #tpu.memory_space<vmem>>, vector<16xf32>,
        tpu.vector_store %arg7[%swap3A_1278, %swap3A_1279], %mul3A_1275 {strides = array<i32>} : memref<512x128xf32, #tpu.memory_space<vmem>>, vector<16xf32>,
      }
      %scan3A_206 = arith.constant 32 : i32
      %rem3A_207 = arith.constant 4 : i32
      %rem3A_208 = arith.remsi %scan3A_174, %rem3A_207 : i32
      %mul3A_209 = arith.constant 128 : i32
      %mul3A_210 = arith.muli %rem3A_208, %mul3A_209 : i32
      %multiple_of3A_211 = tpu.assume_multiple %mul3A_210, 128 : i32
      %mul3A_212 = arith.constant 128 : i32
      %mul3A_213 = arith.muli %scan3A_174, %mul3A_212 : i32
      %add3A_214 = arith.addi %mul3A_32, %mul3A_213 : i32
      %dma_start3A_215 = arith.constant 0 : i32
      %dma_start3A_216 = tpu.memref_slice %arg7[%multiple_of3A_211, %dma_start3A_215] : memref<512x128xf32, #tpu.memory_space<vmem>> -> memref<128x128xf32, #tpu.memory_space<vmem>>
      %dma_start3A_217 = arith.constant 0 : i32
      %dma_start3A_218 = tpu.memref_slice %arg5[%select_n3A, %add3A_214, %dma_start3A_217] : memref<4x8192x128xf32, #tpu.memory_space<hbm>> -> memref<1x128x128xf32, #tpu.memory_space<hbm>>
      %dma_start3A_219 = tpu.memref_squeeze %dma_start3A_218 : memref<1x128x128xf32, #tpu.memory_space<hbm>> -> memref<128x128xf32, #tpu.memory_space<hbm>>
      %dma_start3A_220 = tpu.memref_slice %arg10[%rem3A_208] : memref<4x!tpu.dma_semaphore, #tpu.memory_space<semaphore_mem>> -> memref<1x!tpu.dma_semaphore, #tpu.memory_space<semaphore_mem>>
      %dma_start3A_221 = tpu.memref_squeeze %dma_start3A_220 : memref<1x!tpu.dma_semaphore, #tpu.memory_space<semaphore_mem>> -> memref<!tpu.dma_semaphore, #tpu.memory_space<semaphore_mem>>
      %dma_start3A_222 = arith.constant 0 : i32
      %dma_start3A_223 = tpu.memref_slice %arg5[%select_n3A, %add3A_214, %dma_start3A_222] : memref<4x8192x128xf32, #tpu.memory_space<hbm>> -> memref<1x128x128xf32, #tpu.memory_space<hbm>>
      %dma_start3A_224 = tpu.memref_squeeze %dma_start3A_223 : memref<1x128x128xf32, #tpu.memory_space<hbm>> -> memref<128x128xf32, #tpu.memory_space<hbm>>
      %dma_start3A_225 = arith.constant 0 : i32
      %dma_start3A_226 = tpu.memref_slice %arg7[%multiple_of3A_211, %dma_start3A_225] : memref<512x128xf32, #tpu.memory_space<vmem>> -> memref<128x128xf32, #tpu.memory_space<vmem>>
      tpu.enqueue_dma source(%dma_start3A_226 : memref<128x128xf32, #tpu.memory_space<vmem>>) target(%dma_start3A_224 : memref<128x128xf32, #tpu.memory_space<hbm>>) target_semaphore(%dma_start3A_221 : memref<!tpu.dma_semaphore, #tpu.memory_space<semaphore_mem>>)
    }
    %scan3A_86 = arith.constant 8 : i32
    %rem3A_87 = arith.constant 4 : i32
    %rem3A_88 = arith.constant 4 : i32
    %rem3A_89 = arith.remsi %rem3A_87, %rem3A_88 : i32
    %mul3A_90 = arith.constant 128 : i32
    %mul3A_91 = arith.muli %rem3A_89, %mul3A_90 : i32
    %multiple_of3A_92 = tpu.assume_multiple %mul3A_91, 128 : i32
    %mul3A_93 = arith.constant 4 : i32
    %mul3A_94 = arith.constant 128 : i32
    %mul3A_95 = arith.muli %mul3A_93, %mul3A_94 : i32
    %add3A_96 = arith.addi %mul3A_32, %mul3A_95 : i32
    %dma_wait3A = arith.constant 0 : i32
    %dma_wait3A_97 = tpu.memref_slice %arg7[%multiple_of3A_92, %dma_wait3A] : memref<512x128xf32, #tpu.memory_space<vmem>> -> memref<128x128xf32, #tpu.memory_space<vmem>>
    %dma_wait3A_98 = arith.constant 0 : i32
    %dma_wait3A_99 = tpu.memref_slice %arg5[%select_n3A, %add3A_96, %dma_wait3A_98] : memref<4x8192x128xf32, #tpu.memory_space<hbm>> -> memref<1x128x128xf32, #tpu.memory_space<hbm>>
    %dma_wait3A_100 = tpu.memref_squeeze %dma_wait3A_99 : memref<1x128x128xf32, #tpu.memory_space<hbm>> -> memref<128x128xf32, #tpu.memory_space<hbm>>
    %dma_wait3A_101 = tpu.memref_slice %arg10[%rem3A_89] : memref<4x!tpu.dma_semaphore, #tpu.memory_space<semaphore_mem>> -> memref<1x!tpu.dma_semaphore, #tpu.memory_space<semaphore_mem>>
    %dma_wait3A_102 = tpu.memref_squeeze %dma_wait3A_101 : memref<1x!tpu.dma_semaphore, #tpu.memory_space<semaphore_mem>> -> memref<!tpu.dma_semaphore, #tpu.memory_space<semaphore_mem>>
    %dma_wait3A_103 = arith.constant 0 : i32
    %dma_wait3A_104 = tpu.memref_slice %arg5[%select_n3A, %add3A_96, %dma_wait3A_103] : memref<4x8192x128xf32, #tpu.memory_space<hbm>> -> memref<1x128x128xf32, #tpu.memory_space<hbm>>
    %dma_wait3A_105 = tpu.memref_squeeze %dma_wait3A_104 : memref<1x128x128xf32, #tpu.memory_space<hbm>> -> memref<128x128xf32, #tpu.memory_space<hbm>>
    %dma_wait3A_106 = arith.constant 0 : i32
    %dma_wait3A_107 = tpu.memref_slice %arg7[%multiple_of3A_92, %dma_wait3A_106] : memref<512x128xf32, #tpu.memory_space<vmem>> -> memref<128x128xf32, #tpu.memory_space<vmem>>
    tpu.wait_dma2 semaphore(%dma_wait3A_102 : memref<!tpu.dma_semaphore, #tpu.memory_space<semaphore_mem>>) src(%dma_wait3A_107 : memref<128x128xf32, #tpu.memory_space<vmem>>) dst(%dma_wait3A_105 : memref<128x128xf32, #tpu.memory_space<hbm>>)
    %rem3A_108 = arith.constant 5 : i32
    %rem3A_109 = arith.constant 4 : i32
    %rem3A_110 = arith.remsi %rem3A_108, %rem3A_109 : i32
    %mul3A_111 = arith.constant 128 : i32
    %mul3A_112 = arith.muli %rem3A_110, %mul3A_111 : i32
    %multiple_of3A_113 = tpu.assume_multiple %mul3A_112, 128 : i32
    %mul3A_114 = arith.constant 5 : i32
    %mul3A_115 = arith.constant 128 : i32
    %mul3A_116 = arith.muli %mul3A_114, %mul3A_115 : i32
    %add3A_117 = arith.addi %mul3A_32, %mul3A_116 : i32
    %dma_wait3A_118 = arith.constant 0 : i32
    %dma_wait3A_119 = tpu.memref_slice %arg7[%multiple_of3A_113, %dma_wait3A_118] : memref<512x128xf32, #tpu.memory_space<vmem>> -> memref<128x128xf32, #tpu.memory_space<vmem>>
    %dma_wait3A_120 = arith.constant 0 : i32
    %dma_wait3A_121 = tpu.memref_slice %arg5[%select_n3A, %add3A_117, %dma_wait3A_120] : memref<4x8192x128xf32, #tpu.memory_space<hbm>> -> memref<1x128x128xf32, #tpu.memory_space<hbm>>
    %dma_wait3A_122 = tpu.memref_squeeze %dma_wait3A_121 : memref<1x128x128xf32, #tpu.memory_space<hbm>> -> memref<128x128xf32, #tpu.memory_space<hbm>>
    %dma_wait3A_123 = tpu.memref_slice %arg10[%rem3A_110] : memref<4x!tpu.dma_semaphore, #tpu.memory_space<semaphore_mem>> -> memref<1x!tpu.dma_semaphore, #tpu.memory_space<semaphore_mem>>
    %dma_wait3A_124 = tpu.memref_squeeze %dma_wait3A_123 : memref<1x!tpu.dma_semaphore, #tpu.memory_space<semaphore_mem>> -> memref<!tpu.dma_semaphore, #tpu.memory_space<semaphore_mem>>
    %dma_wait3A_125 = arith.constant 0 : i32
    %dma_wait3A_126 = tpu.memref_slice %arg5[%select_n3A, %add3A_117, %dma_wait3A_125] : memref<4x8192x128xf32, #tpu.memory_space<hbm>> -> memref<1x128x128xf32, #tpu.memory_space<hbm>>
    %dma_wait3A_127 = tpu.memref_squeeze %dma_wait3A_126 : memref<1x128x128xf32, #tpu.memory_space<hbm>> -> memref<128x128xf32, #tpu.memory_space<hbm>>
    %dma_wait3A_128 = arith.constant 0 : i32
    %dma_wait3A_129 = tpu.memref_slice %arg7[%multiple_of3A_113, %dma_wait3A_128] : memref<512x128xf32, #tpu.memory_space<vmem>> -> memref<128x128xf32, #tpu.memory_space<vmem>>
    tpu.wait_dma2 semaphore(%dma_wait3A_124 : memref<!tpu.dma_semaphore, #tpu.memory_space<semaphore_mem>>) src(%dma_wait3A_129 : memref<128x128xf32, #tpu.memory_space<vmem>>) dst(%dma_wait3A_127 : memref<128x128xf32, #tpu.memory_space<hbm>>)
    %rem3A_130 = arith.constant 6 : i32
    %rem3A_131 = arith.constant 4 : i32
    %rem3A_132 = arith.remsi %rem3A_130, %rem3A_131 : i32
    %mul3A_133 = arith.constant 128 : i32
    %mul3A_134 = arith.muli %rem3A_132, %mul3A_133 : i32
    %multiple_of3A_135 = tpu.assume_multiple %mul3A_134, 128 : i32
    %mul3A_136 = arith.constant 6 : i32
    %mul3A_137 = arith.constant 128 : i32
    %mul3A_138 = arith.muli %mul3A_136, %mul3A_137 : i32
    %add3A_139 = arith.addi %mul3A_32, %mul3A_138 : i32
    %dma_wait3A_140 = arith.constant 0 : i32
    %dma_wait3A_141 = tpu.memref_slice %arg7[%multiple_of3A_135, %dma_wait3A_140] : memref<512x128xf32, #tpu.memory_space<vmem>> -> memref<128x128xf32, #tpu.memory_space<vmem>>
    %dma_wait3A_142 = arith.constant 0 : i32
    %dma_wait3A_143 = tpu.memref_slice %arg5[%select_n3A, %add3A_139, %dma_wait3A_142] : memref<4x8192x128xf32, #tpu.memory_space<hbm>> -> memref<1x128x128xf32, #tpu.memory_space<hbm>>
    %dma_wait3A_144 = tpu.memref_squeeze %dma_wait3A_143 : memref<1x128x128xf32, #tpu.memory_space<hbm>> -> memref<128x128xf32, #tpu.memory_space<hbm>>
    %dma_wait3A_145 = tpu.memref_slice %arg10[%rem3A_132] : memref<4x!tpu.dma_semaphore, #tpu.memory_space<semaphore_mem>> -> memref<1x!tpu.dma_semaphore, #tpu.memory_space<semaphore_mem>>
    %dma_wait3A_146 = tpu.memref_squeeze %dma_wait3A_145 : memref<1x!tpu.dma_semaphore, #tpu.memory_space<semaphore_mem>> -> memref<!tpu.dma_semaphore, #tpu.memory_space<semaphore_mem>>
    %dma_wait3A_147 = arith.constant 0 : i32
    %dma_wait3A_148 = tpu.memref_slice %arg5[%select_n3A, %add3A_139, %dma_wait3A_147] : memref<4x8192x128xf32, #tpu.memory_space<hbm>> -> memref<1x128x128xf32, #tpu.memory_space<hbm>>
    %dma_wait3A_149 = tpu.memref_squeeze %dma_wait3A_148 : memref<1x128x128xf32, #tpu.memory_space<hbm>> -> memref<128x128xf32, #tpu.memory_space<hbm>>
    %dma_wait3A_150 = arith.constant 0 : i32
    %dma_wait3A_151 = tpu.memref_slice %arg7[%multiple_of3A_135, %dma_wait3A_150] : memref<512x128xf32, #tpu.memory_space<vmem>> -> memref<128x128xf32, #tpu.memory_space<vmem>>
    tpu.wait_dma2 semaphore(%dma_wait3A_146 : memref<!tpu.dma_semaphore, #tpu.memory_space<semaphore_mem>>) src(%dma_wait3A_151 : memref<128x128xf32, #tpu.memory_space<vmem>>) dst(%dma_wait3A_149 : memref<128x128xf32, #tpu.memory_space<hbm>>)
    %rem3A_152 = arith.constant 7 : i32
    %rem3A_153 = arith.constant 4 : i32
    %rem3A_154 = arith.remsi %rem3A_152, %rem3A_153 : i32
    %mul3A_155 = arith.constant 128 : i32
    %mul3A_156 = arith.muli %rem3A_154, %mul3A_155 : i32
    %multiple_of3A_157 = tpu.assume_multiple %mul3A_156, 128 : i32
    %mul3A_158 = arith.constant 7 : i32
    %mul3A_159 = arith.constant 128 : i32
    %mul3A_160 = arith.muli %mul3A_158, %mul3A_159 : i32
    %add3A_161 = arith.addi %mul3A_32, %mul3A_160 : i32
    %dma_wait3A_162 = arith.constant 0 : i32
    %dma_wait3A_163 = tpu.memref_slice %arg7[%multiple_of3A_157, %dma_wait3A_162] : memref<512x128xf32, #tpu.memory_space<vmem>> -> memref<128x128xf32, #tpu.memory_space<vmem>>
    %dma_wait3A_164 = arith.constant 0 : i32
    %dma_wait3A_165 = tpu.memref_slice %arg5[%select_n3A, %add3A_161, %dma_wait3A_164] : memref<4x8192x128xf32, #tpu.memory_space<hbm>> -> memref<1x128x128xf32, #tpu.memory_space<hbm>>
    %dma_wait3A_166 = tpu.memref_squeeze %dma_wait3A_165 : memref<1x128x128xf32, #tpu.memory_space<hbm>> -> memref<128x128xf32, #tpu.memory_space<hbm>>
    %dma_wait3A_167 = tpu.memref_slice %arg10[%rem3A_154] : memref<4x!tpu.dma_semaphore, #tpu.memory_space<semaphore_mem>> -> memref<1x!tpu.dma_semaphore, #tpu.memory_space<semaphore_mem>>
    %dma_wait3A_168 = tpu.memref_squeeze %dma_wait3A_167 : memref<1x!tpu.dma_semaphore, #tpu.memory_space<semaphore_mem>> -> memref<!tpu.dma_semaphore, #tpu.memory_space<semaphore_mem>>
    %dma_wait3A_169 = arith.constant 0 : i32
    %dma_wait3A_170 = tpu.memref_slice %arg5[%select_n3A, %add3A_161, %dma_wait3A_169] : memref<4x8192x128xf32, #tpu.memory_space<hbm>> -> memref<1x128x128xf32, #tpu.memory_space<hbm>>
    %dma_wait3A_171 = tpu.memref_squeeze %dma_wait3A_170 : memref<1x128x128xf32, #tpu.memory_space<hbm>> -> memref<128x128xf32, #tpu.memory_space<hbm>>
    %dma_wait3A_172 = arith.constant 0 : i32
    %dma_wait3A_173 = tpu.memref_slice %arg7[%multiple_of3A_157, %dma_wait3A_172] : memref<512x128xf32, #tpu.memory_space<vmem>> -> memref<128x128xf32, #tpu.memory_space<vmem>>
    tpu.wait_dma2 semaphore(%dma_wait3A_168 : memref<!tpu.dma_semaphore, #tpu.memory_space<semaphore_mem>>) src(%dma_wait3A_173 : memref<128x128xf32, #tpu.memory_space<vmem>>) dst(%dma_wait3A_171 : memref<128x128xf32, #tpu.memory_space<hbm>>)
    return
  }
}

</mosaic_0001>

<sc_bundles>
// kernel: kernel.3.cloned.1.call-start
scs
__scs_entry_jumppad:
0x0: {  	(pc) =	sbr.rel $0x88, $3  }
0x1: {  	(tag) =	ssettag $0x0;
	lr =	simm.s32 $0x1  }
0x2: {  	[smem:$0x3F9E] =	sst lr;
	_ =	strace $0xD0000000  }
0x3: {  	_ = 	snop  }
0x4: {  	_ = 	snop  }
0x5: {  	_ = 	snop  }
0x6: {  	_ = 	snop  }
0x7: {  	_ = 	snop  }
__scs_overlays_trampoline_lowered:
0x8: {  	[smem:$0x3FAD] =	sst s0  }
0x9: {  	[smem:$0x3FAE] =	sst s1  }
0xa: {  	[smem:$0x3FAF] =	sst s2  }
0xb: {  	[smem:$0x3FB0] =	sst s3  }
0xc: {  	[smem:$0x3FB1] =	sst s4  }
0xd: {  	[smem:$0x3FB2] =	sst s5  }
0xe: {  	[smem:$0x3FB3] =	sst s6  }
0xf: {  	[smem:$0x3FB4] =	sst s7  }
0x10: {  	[smem:$0x3FB5] =	sst s8  }
0x11: {  	[smem:$0x3FB6] =	sst s9;
	s0 =	simm.s32 @!p0 $0x0  }
0x12: {  	s1 =	sld [smem:$0x3F9C];
	s0 =	simm.s32 @p0 $0x1  }
0x13: {  	[smem:$0x3FB7] =	sst s0;
	s0 =	simm.s32 @!p1 $0x0  }
0x14: {  	s2 =	sld [smem:$0x3F9B];
	s0 =	simm.s32 @p1 $0x1  }
0x15: {  	[smem:$0x3FB8] =	sst s0;
	s0 =	simm.s32 @!p2 $0x0  }
0x16: {  	s3 =	sld [smem:$0x3FDB];
	s0 =	simm.s32 @p2 $0x1  }
0x17: {  	s4 =	simm.s32 $0x1BF5;
	[smem:$0x3FBA] =	sst s0  }
0x18: {  	s0 =	sld [smem:$0x3F9D];
	_ =	swait.ge [sflag:s4], $0x0  }
0x19: {  	s7 =	sld [smem:$0x3F9E]  }
0x1a: {  	s8 =	sadd.s32 $0xFFFFE003, lr  }
0x1b: {  	s9 =	sadd.s32 $0xFFFFFEF7, lr;
	s5 =	simm.s32 $0xFFFFFFFF;
	p2 =	slt.u32 s8, $0xFFFFF086  }
0x1c: {  	p1 =	slt.u32 s9, $0xF7A;
	s5 =	simm.s32 @!p2 $0x0  }
0x1d: {  	s5 =	simm.s32 @p1 $0x1;
	p0 =	seq.s32 s7, s2  }
0x1e: {  	s7 =	smul.u32 @!p0 $0xF7A, s2;
	p2 =	seq.s32 @!p0 s5, $0x0  }
0x1f: {  	s9 =	smul.u32 $0xF7A, s1;
	s8 =	simm.s32 @!p0 $0x1BF5;
	p2 =	por !p2, p0  }
0x20: {  	[sflag:s8] =	ssyncset.s32 @!p0 $0xFFFFF086;
	s6 =	sadd.s32 @!p0 s3, s7;
	s7 =	simm.s32 @!p0 $0x108  }
0x21: {  	s3 =	sadd.s32 s3, s9;
	s6 =	sadd.s32 @!p0 $0x88, s6;
	s7 =	simm.s32 @p2 $0x1082  }
0x22: {  	[simem:s7], [sflag:s8] =	dma.local @!p0 [hbm:s6], $0xF7A  }
0x23: {  	s9 =	sor.u32 $0xD0000000, s2;
	s6 =	simm.s32 $0x108;
	_ =	swait.ge @!p0 [sflag:s8], $0x0  }
0x24: {  	s3 =	sadd.s32 $0x88, s3;
	s6 =	simm.s32 @!p1 $0x1082;
	[sflag:s4] =	ssyncset.s32 $0xFFFFF086  }
0x25: {  	[simem:s6], [sflag:s4] =	dma.local [hbm:s3], $0xF7A  }
0x26: {  	[smem:$0x3F9E] =	sst s1;
	(tag) =	ssettag s2;
	_ =	strace s9  }
0x27: {  	s1 =	sld [smem:$0x3FAE]  }
0x28: {  	s2 =	sld [smem:$0x3FAF]  }
0x29: {  	s4 =	sld [smem:$0x3FB1]  }
0x2a: {  	p0 =	seq.s32 s5, $0x0;
	s5 =	sld [smem:$0x3FB2]  }
0x2b: {  	s6 =	sld [smem:$0x3FB3]  }
0x2c: {  	s7 =	sld [smem:$0x3FB4]  }
0x2d: {  	s3 =	simm.s32 $0x108;
	s8 =	sld [smem:$0x3FB5]  }
0x2e: {  	s3 =	simm.s32 @!p0 $0x1082;
	s9 =	sld [smem:$0x3FB6]  }
0x2f: {  	lr =	sadd.s32 s0, s3;
	s0 =	sld [smem:$0x3FAD]  }
0x30: {  	s3 =	sld [smem:$0x3FB0]  }
0x31: {  	[smem:$0x3FB9] =	sst s10  }
0x32: {  	s10 =	sld [smem:$0x3FB7];
	_ =	sdelay $0x3  }
0x33: {  	p0 =	seq.s32 s10, $0x1;
	s10 =	sld [smem:$0x3FB9];
	_ =	sdelay $0x3  }
0x34: {  	[smem:$0x3FB9] =	sst s10  }
0x35: {  	s10 =	sld [smem:$0x3FB8];
	_ =	sdelay $0x3  }
0x36: {  	p1 =	seq.s32 s10, $0x1;
	s10 =	sld [smem:$0x3FB9];
	_ =	sdelay $0x3  }
0x37: {  	[smem:$0x3FB9] =	sst s10  }
0x38: {  	s10 =	sld [smem:$0x3FBA]  }
0x39: {  	_ = 	snop;
	(pc) =	sbr.ind lr, $3  }
0x3a: {  	_ = 	snop  }
0x3b: {  	_ = 	snop  }
0x3c: {  	p2 =	seq.s32 s10, $0x1;
	s10 =	sld [smem:$0x3FB9]  }
0x3d: {  	_ =	shalt  }
0x3e: {  	_ =	shalt  }
0x3f: {  	_ =	shalt  }
0x40: {  	_ =	shalt  }
0x41: {  	_ =	shalt  }
0x42: {  	_ =	shalt  }
0x43: {  	_ =	shalt  }
0x44: {  	_ =	shalt  }
0x45: {  	_ =	shalt  }
0x46: {  	_ =	shalt  }
0x47: {  	_ =	shalt  }
0x48: {  	_ =	shalt  }
0x49: {  	_ =	shalt  }
0x4a: {  	_ =	shalt  }
0x4b: {  	_ =	shalt  }
0x4c: {  	_ =	shalt  }
0x4d: {  	_ =	shalt  }
0x4e: {  	_ =	shalt  }
0x4f: {  	_ =	shalt  }
0x50: {  	_ =	shalt  }
0x51: {  	_ =	shalt  }
0x52: {  	_ =	shalt  }
0x53: {  	_ =	shalt  }
0x54: {  	_ =	shalt  }
0x55: {  	_ =	shalt  }
0x56: {  	_ =	shalt  }
0x57: {  	_ =	shalt  }
0x58: {  	_ =	shalt  }
0x59: {  	_ =	shalt  }
0x5a: {  	_ =	shalt  }
0x5b: {  	_ =	shalt  }
0x5c: {  	_ =	shalt  }
0x5d: {  	_ =	shalt  }
0x5e: {  	_ =	shalt  }
0x5f: {  	_ =	shalt  }
0x60: {  	_ =	shalt  }
0x61: {  	_ =	shalt  }
0x62: {  	_ =	shalt  }
0x63: {  	_ =	shalt  }
0x64: {  	_ =	shalt  }
0x65: {  	_ =	shalt  }
0x66: {  	_ =	shalt  }
0x67: {  	_ =	shalt  }
0x68: {  	_ =	shalt  }
0x69: {  	_ =	shalt  }
0x6a: {  	_ =	shalt  }
0x6b: {  	_ =	shalt  }
0x6c: {  	_ =	shalt  }
0x6d: {  	_ =	shalt  }
0x6e: {  	_ =	shalt  }
0x6f: {  	_ =	shalt  }
0x70: {  	_ =	shalt  }
0x71: {  	_ =	shalt  }
0x72: {  	_ =	shalt  }
0x73: {  	_ =	shalt  }
0x74: {  	_ =	shalt  }
0x75: {  	_ =	shalt  }
0x76: {  	_ =	shalt  }
0x77: {  	_ =	shalt  }
0x78: {  	_ =	shalt  }
0x79: {  	_ =	shalt  }
0x7a: {  	_ =	shalt  }
0x7b: {  	_ =	shalt  }
0x7c: {  	_ =	shalt  }
0x7d: {  	_ =	shalt  }
0x7e: {  	_ =	shalt  }
0x7f: {  	_ =	shalt  }
0x80: {  	_ =	shalt  }
0x81: {  	_ =	shalt  }
0x82: {  	_ =	shalt  }
0x83: {  	_ =	shalt  }
0x84: {  	_ =	shalt  }
0x85: {  	_ =	shalt  }
0x86: {  	_ =	shalt  }
0x87: {  	_ =	shalt  }
.Lfunc_end0:
.L_simem_size_0:
called_computation_lowered:
.L_overlay_start_0:
0x88: {  	s2 =	sld [smem:$0x3FD9]  }
0x89: {  	s3 =	sld [smem:$0x3FFE];
	_ =	sdelay $0x1  }
0x8a: {  	s1 =	srdreg.scid  }
0x8b: {  	s0 =	sand.u32 $0x1, s1  }
0x8c: {  	s18 =	sshll.u32 s0, $0xA;
	s2 =	sadd.s32 s3, s2  }
0x8d: {  	s2 =	sadd.s32 s2, s18  }
0x8e: {  	[smem:$0x3FC5] =	sst s2  }
0x8f: {  	_ = 	snop  }
0x90: {  	s2 =	sld [smem:$0x3FC9]  }
0x91: {  	s19 =	sld [smem:$0x3FC8]  }
0x92: {  	s4 =	sld [smem:$0x3FC7]  }
0x93: {  	s5 =	sld [smem:$0x3FD0];
	(tm) =	ssettm $0x1  }
0x94: {  	s6 =	sld [smem:$0x3FFB];
	_ =	sdelay $0x3  }
0x95: {  	_ =	strace s6  }
0x96: {  	s6 =	sld [smem:$0x3FFC];
	_ =	sdelay $0x3  }
0x97: {  	_ =	strace s6  }
0x98: {  	s6 =	sld [smem:$0x3FFD];
	_ =	sdelay $0x3  }
0x99: {  	_ =	strace s6  }
0x9a: {  	_ =	strace $0x8FFFFFFF  }
0x9b: {  	s20 =	sld [smem:$0x3FDB];
	_ =	sdelay $0x1  }
0x9c: {  	s7 =	simm.s32 $_scs_section_size  }
0x9d: {  	s8 =	simm.s32 $_size__tile_overlayer_lowered;
	s9 =	simm.s32 $_tile_overlayer_lowered  }
0x9e: {  	s23 =	simm.s32 $0x1BFF;
	s22 =	sshll.u32 s9, $0x1;
	s6 =	sadd.s32 s7, s20  }
0x9f: {  	s10 =	simm.s32 $0x0;
	s21 =	sshll.u32 s8, $0x1;
	s8 =	sadd.s32 s22, s6  }
0xa0: {  	[timem:s10], [sflag:s23] =	dma.local [hbm:s8], s21  }
0xa1: {  	_ =	swait.ge [sflag:s23], s21  }
0xa2: {  	s7 =	ssub.s32 $0x0, s21;
	[sflag:s23] =	ssyncset.done $0x0  }
0xa3: {  	[sflag:s23] =	ssyncadd.s32 s7;
	_ =	sdelay $0x1  }
0xa4: {  	s24 =	simm.s32 $0x1B8B  }
0xa5: {  	_ =	swait.ge [sflag:s24], $0x1  }
0xa6: {  	[sflag:s24] =	ssyncset.done $0x0  }
0xa7: {  	s25 =	simm.s32 $0x1B8E;
	[sflag:s24] =	ssyncadd.s32 $0xFFFFFFFF  }
0xa8: {  	s26 =	simm.s32 $execute0_lowered;
	[smem:$0x3FD2] =	sst s25  }
0xa9: {  	s7 =	sshll.u32 s26, $0x1;
	_ =	strace $0x80000046;
	[dreg:$0x1] =	wrdreg $0xFFFFFFFF  }
0xaa: {  	s28 =	simm.s32 $_size_execute0_lowered;
	s6 =	sadd.s32 s6, s7;
	[dreg:$0x0] =	wrdreg $0x0  }
0xab: {  	s7 =	sshll.u32 s28, $0x1;
	[dreg:$0x2] =	wrdreg s6  }
0xac: {  	[dreg:$0x3] =	wrdreg s7  }
0xad: {  	[dreg:$0x4] =	wrdreg $0xC0  }
0xae: {  	_ =	task [dreg:s10], $0x5FFFF  }
0xaf: {  	[dreg:$0x1] =	wrdreg $0xFFFFFFFF  }
0xb0: {  	[dreg:$0x0] =	wrdreg $0x60  }
0xb1: {  	[dreg:$0x2] =	wrdreg s2  }
0xb2: {  	[dreg:$0x3] =	wrdreg s19  }
0xb3: {  	[dreg:$0x4] =	wrdreg s4  }
0xb4: {  	[dreg:$0x5] =	wrdreg s5  }
0xb5: {  	[dreg:$0x6] =	wrdreg $0x9  }
0xb6: {  	_ =	task.clear_ibuf [dreg:s10], $0x7FFFF;
	_ =	strace $0x90000046  }
0xb7: {  	s29 =	simm.s32 $0x9;
	_ =	strace $0x80000048  }
0xb8: {  	_ =	swait.ge [sflag:s29], $0x1  }
0xb9: {  	[sflag:s29] =	ssyncadd.s32 $0xFFFFFFFF  }
0xba: {  	_ =	strace $0x90000048  }
0xbb: {  	_ =	sfence  }
0xbc: {  	s30 =	sld [smem:$0x0];
	_ =	sdelay $0x2  }
0xbd: {  	s31 =	sshll.u32 s1, $0xD;
	s1 =	sshrl.u32 s1, $0x2  }
0xbe: {  	s3 =	sand.u32 $0x4000, s31;
	s1 =	sadd.s32 s1, s30  }
0xbf: {  	s0 =	sor.u32 s3, s0;
	s1 =	sshll.u32 s1, $0x11  }
0xc0: {  	s0 =	sor.u32 s1, s0  }
0xc1: {  	s0 =	sadd.s32 $0x8F2B, s0  }
0xc2: {  	[sflag:s0] =	ssyncadd.remote.s32 $0x1  }
0xc3: {  	_ =	sfence.sel $0xFFFF  }
0xc4: {  	[dreg:$0x0] =	wrdreg $0xFFFFFFFF;
	(pc) =	sbr.abs _section_cstart, $3  }
0xc5: {  	[dreg:$0x1] =	wrdreg $0xFFFFFFFF  }
0xc6: {  	_ =	task.clear_ibuf [dreg:s10], $0x2FFFF;
	_ =	strace $0x9FFFFFFF  }
0xc7: {  	(tm) =	ssettm $0x7FFFFFFF  }
tec
execute0_lowered:
.L_overlay_start_1:
0x0: {  	(tag) =	ssettag $0x1  }
0x1: {  	s5 =	rddreg [dreg:$0x0]  }
0x2: {  	s1 =	rddreg [dreg:$0x1]  }
0x3: {  	s2 =	rddreg [dreg:$0x2]  }
0x4: {  	s6 =	rddreg [dreg:$0x3]  }
0x5: {  	s0 =	rddreg [dreg:$0x4]  }
0x6: {  	s4 =	simm.s32 $0x0;
	s7 =	srdreg.scid;
	s3 =	stileid.u32  }
0x7: {  	s13 =	simm.s32 $0x4400;
	s14 =	simm.s32 $0x5;
	s15 =	simm.s32 $0x6  }
0x8: {  	s16 =	simm.s32 $0x7;
	s17 =	simm.s32 $0x8;
	s18 =	simm.s32 $0x0  }
0x9: {  	[smem:$0x7FF] =	sst s4;
	s7 =	sand.u32 $0x1, s7;
	s8 =	sshll.u32 s3, $0x1  }
0xa: {  	s11 =	sshrl.u32 s3, $0x2;
	_ =	strace $0x80000047;
	s9 =	ssub.s32 $0x2, s7  }
0xb: {  	s8 =	sand.u32 $0x6, s8;
	s12 =	sshll.u32 s11, $0x4;
	s31 =	sshll.u32 s11, $0x11  }
0xc: {  	s11 =	simm.s32 $0x200;
	s10 =	sshrl.u32 s9, $0x1;
	s7 =	sor.u32 s7, s8  }
0xd: {  	s5 =	sadd.s32 s5, s12;
	s12 =	simm.s32 $0x400;
	s8 =	sshll.u32 s7, $0xE  }
0xe: {  	s7 =	sshll.u32 s7, $0x9;
	s9 =	ssub.s32 s9, s10;
	s10 =	simm.s32 $0x80  }
0xf: {  	vm0 =	vmmov $0x1;
	s6 =	sadd.s32 s8, s6;
	s5 =	sadd.s32 s7, s5;
	s7 =	smax.u32 s9, $0x1  }
0x10: {  	vm1 =	vcmask $0x310;
	vm2 =	vcmask $0x710;
	vm3 =	vcmask $0xB10;
	s8 =	simm.s32 $0x10400;
	s9 =	simm.s32 $0x9;
	s6 =	sadd.s32 s6, s31  }
.LBB2_1:
0x11: {  	[tilespmem:s8], [sflag:$0x9] =	stream.linear.gather [hbm4b:s2+s4], $0x80, $0x38;
	[tilespmem:$0x10480] =	vst v63  }
0x12: {  	_ =	swait.ge [sflag:s9], $0x80  }
0x13: {  	[sflag:s9] =	ssyncset.done $0x0  }
0x14: {  	[sflag:s9] =	ssyncadd.s32 $0xFFFFFF80  }
0x15: {  	v30 =	vld [tilespmem:$0x10400]  }
0x16: {  	v1 =	vld [tilespmem:$0x10410]  }
0x17: {  	v2 =	vld [tilespmem:$0x10420]  }
0x18: {  	v3 =	vld [tilespmem:$0x10430]  }
0x19: {  	v4 =	vld [tilespmem:$0x10440]  }
0x1a: {  	v5 =	vld [tilespmem:$0x10450]  }
0x1b: {  	v6 =	vld [tilespmem:$0x10460]  }
0x1c: {  	v7 =	vld [tilespmem:$0x10470];
	[tilespmem:s4], [sflag:$0x9] =	stream.strided.gather [hbm4b:s5+s10], $0x400, s11, s10, $0x38  }
0x1d: {  	_ =	swait.ge [sflag:s9], $0x400  }
0x1e: {  	[sflag:s9] =	ssyncset.done $0x0  }
0x1f: {  	[sflag:s9] =	ssyncadd.s32 $0xFFFFFC00  }
0x20: {  	[tilespmem:s12], [sflag:$0x1] =	stream.indirect.gather [hbm4b:s1+s10], $0x80, s4, s10, $0xb8;
	[tilespmem:$0x10480] =	vst v63  }
0x21: {  	s19 =	simm.s32 $0x0;
	s20 =	simm.s32 $0x0  }
0x22: {  	[tilespmem:s13], [sflag:$0x2] =	stream.indirect.gather [hbm4b:s1+s10], $0x80, s10, s10, $0xb8;
	[tilespmem:$0x10480] =	vst v63  }
.LBB2_2:
0x23: {  	p0 =	sgt.u32 s20, $0x5  }
0x24: {  	p1 =	slt.u32 @!p0 s20, $0x2  }
0x25: {  	s21 =	sand.u32 $0x3, s20;
	p1 =	por p1, p0  }
0x26: {  	s23 =	sadd.s32 $0x2, s20;
	s22 =	sxor.u32 @!p1 $0x2, s21  }
0x27: {  	s24 =	sand.u32 @!p0 $0x3, s23;
	s23 =	sshll.u32 @!p0 s23, $0x7;
	s22 =	sadd.s32 @!p1 $0x5, s22  }
0x28: {  	s30 =	sadd.s32 $0x1, s21;
	s25 =	sshll.u32 @!p0 s24, $0xE;
	_ =	swait.ge @!p1 [sflag:s22], $0x4000  }
0x29: {  	s23 =	sand.u32 @!p0 $0x3FFFFF80, s23;
	s24 =	sadd.s32 @!p0 $0x1, s24;
	[sflag:s22] =	ssyncset.done @!p1 $0x0  }
0x2a: {  	[sflag:s22] =	ssyncadd.s32 @!p1 $0xFFFFC000;
	s22 =	sor.u32 @!p0 $0x400, s25;
	s25 =	simm.s32 @!p0 $0x80  }
0x2b: {  	[tilespmem:s22], [sflag:s24] =	stream.indirect.gather @!p0 [hbm4b:s1+s25], $0x80, s23, s25, $0xb8;
	[tilespmem:$0x10480] =	vst v63  }
0x2c: {  	s31 =	sand.u32 $0x3, s19;
	_ =	swait.ge [sflag:s30], $0x4000  }
0x2d: {  	s22 =	sshll.u32 s31, $0xE;
	[sflag:s30] =	ssyncset.done $0x0  }
0x2e: {  	s22 =	sor.u32 $0x600, s22;
	[sflag:s30] =	ssyncadd.s32 $0xFFFFC000  }
0x2f: {  	v8 =	vld [tilespmem:s22+$0xFFFFFFF0]  }
0x30: {  	v0 =	vld [tilespmem:s22+$0xFFFFFFE0]  }
0x31: {  	v10 =	vld [tilespmem:s22+$0xFFFFFFD0]  }
0x32: {  	v11 =	vld [tilespmem:s22+$0xFFFFFFC0]  }
0x33: {  	v12 =	vld [tilespmem:s22+$0xFFFFFFB0]  }
0x34: {  	v13 =	vld [tilespmem:s22+$0xFFFFFFA0]  }
0x35: {  	v14 =	vld [tilespmem:s22+$0xFFFFFF90]  }
0x36: {  	v15 =	vld [tilespmem:s22+$0xFFFFFF80]  }
0x37: {  	v9 =	vld [tilespmem:s22+$0x1F0]  }
0x38: {  	v16 =	vld [tilespmem:s22+$0x1E0]  }
0x39: {  	v17 =	vld [tilespmem:s22+$0x1D0]  }
0x3a: {  	v18 =	vld [tilespmem:s22+$0x1C0]  }
0x3b: {  	v32 =	vld [tilespmem:s22+$0x1B0]  }
0x3c: {  	v19 =	vld [tilespmem:s22+$0xFFFFFF70]  }
0x3d: {  	v20 =	vld [tilespmem:s22+$0xFFFFFF60]  }
0x3e: {  	v21 =	vld [tilespmem:s22+$0xFFFFFF50]  }
0x3f: {  	v22 =	vld [tilespmem:s22+$0xFFFFFF40]  }
0x40: {  	v23 =	vld [tilespmem:s22+$0xFFFFFF30]  }
0x41: {  	v24 =	vld [tilespmem:s22+$0xFFFFFF20]  }
0x42: {  	v25 =	vld [tilespmem:s22+$0xFFFFFF10]  }
0x43: {  	v26 =	vld [tilespmem:s22+$0xFFFFFF00]  }
0x44: {  	v28 =	vld [tilespmem:s22+$0x170]  }
0x45: {  	v29 =	vld [tilespmem:s22+$0x160]  }
0x46: {  	v31 =	vld [tilespmem:s22+$0x150]  }
0x47: {  	v55 =	vld [tilespmem:s22+$0x140]  }
0x48: {  	v33 =	vld [tilespmem:s22+$0x130]  }
0x49: {  	v34 =	vld [tilespmem:s22+$0x120]  }
0x4a: {  	v35 =	vld [tilespmem:s22+$0x110]  }
0x4b: {  	v36 =	vld [tilespmem:s22+$0x100]  }
0x4c: {  	v37 =	vld [tilespmem:s22+$0xFFFFFEF0];
	[tilespmem:$0x1FFE0] =	vst v0;
	v0 =	vmul.f32 v0, v0;
	v39 =	vmul.f32 v8, v8  }
0x4d: {  	v38 =	vld [tilespmem:s22+$0xFFFFFEE0];
	v40 =	vmul.f32 v11, v11;
	v41 =	vmul.f32 v10, v10  }
0x4e: {  	v51 =	vld [tilespmem:s22+$0xC0];
	v42 =	vmul.f32 v13, v13;
	v43 =	vmul.f32 v12, v12  }
0x4f: {  	[tilespmem:$0x1FE80] =	vst v55;
	v44 =	vmul.f32 v15, v15;
	v57 =	vmul.f32 v55, v55;
	v55 =	vld [tilespmem:s22+$0x80]  }
0x50: {  	[tilespmem:$0x1FF80] =	vst v15;
	v45 =	vmul.f32 v14, v14;
	v15 =	vmul.f32 v16, v16;
	v0 =	vadd.f32 v39, v0;
	v39 =	vld [tilespmem:s22+$0xFFFFFED0]  }
0x51: {  	[tilespmem:$0x1FF60] =	vst v16;
	v16 =	vmul.f32 v9, v9;
	v47 =	vmul.f32 v17, v17;
	v46 =	vadd.f32 v41, v40;
	v40 =	vld [tilespmem:s22+$0xFFFFFEC0]  }
0x52: {  	v48 =	vmul.f32 v20, v20;
	v49 =	vmul.f32 v19, v19;
	v41 =	vld [tilespmem:s22+$0xFFFFFEB0]  }
0x53: {  	[tilespmem:$0x1FF30] =	vst v19;
	v19 =	vmul.f32 v22, v22;
	v50 =	vmul.f32 v21, v21;
	v42 =	vadd.f32 v43, v42;
	v43 =	vld [tilespmem:s22+$0xFFFFFE90]  }
0x54: {  	[tilespmem:$0x1FF20] =	vst v20;
	v52 =	vmul.f32 v26, v26;
	v53 =	vmul.f32 v25, v25;
	v44 =	vadd.f32 v45, v44;
	v45 =	vld [tilespmem:s22+$0xF0]  }
0x55: {  	[tilespmem:$0x1FF10] =	vst v21;
	v20 =	vmul.f32 v23, v23;
	v21 =	vmul.f32 v29, v29;
	v49 =	vadd.f32 v49, v48;
	v48 =	vld [tilespmem:s22+$0xE0]  }
0x56: {  	v58 =	vmul.f32 v31, v31;
	v61 =	vmul.f32 v36, v36;
	v54 =	vadd.f32 v53, v52;
	v52 =	vld [tilespmem:s22+$0xB0]  }
0x57: {  	v62 =	vmul.f32 v35, v35;
	v53 =	vld [tilespmem:s22+$0xA0];
	v44 =	vadd.f32 v42, v44;
	v0 =	vadd.f32 v0, v46  }
0x58: {  	[tilespmem:$0x1FF00] =	vst v22;
	v56 =	vmul.f32 v28, v28;
	v22 =	vmul.f32 v34, v34;
	v58 =	vadd.f32 v58, v57;
	v57 =	vld [tilespmem:s22+$0xFFFFFE60]  }
0x59: {  	[tilespmem:$0x1FFF0] =	vst v8;
	v61 =	vadd.f32 v62, v61;
	v62 =	vld [tilespmem:s22+$0xFFFFFE20];
	v63 =	vadd.f32 v0, v44;
	v0 =	vmul.f32 v18, v18  }
0x5a: {  	[tilespmem:$0x1FEF0] =	vst v23;
	v60 =	vmul.f32 v33, v33;
	v23 =	vmul.f32 v38, v38;
	v42 =	vld [tilespmem:s22+$0xFFFFFEA0];
	v46 =	vadd.f32 v50, v19  }
0x5b: {  	[tilespmem:$0x1FFD0] =	vst v10;
	v59 =	vadd.f32 v16, v15;
	v50 =	vld [tilespmem:s22+$0xD0];
	v27 =	vadd.f32 v47, v0;
	v0 =	vmul.f32 v24, v24  }
0x5c: {  	[tilespmem:$0x1FF70] =	vst v9;
	v10 =	vmul.f32 v55, v55;
	v44 =	vld [tilespmem:s22+$0xFFFFFE80];
	v46 =	vadd.f32 v49, v46;
	v49 =	vadd.f32 v60, v22  }
0x5d: {  	[tilespmem:$0x1FED0] =	vst v25;
	v16 =	vld [tilespmem:s22+$0x0];
	v25 =	vmul.f32 v40, v40;
	v9 =	vmul.f32 v39, v39;
	v0 =	vadd.f32 v20, v0  }
0x5e: {  	[tilespmem:$0x1FEE0] =	vst v24;
	v60 =	vld [tilespmem:s22+$0xFFFFFE40];
	v47 =	vadd.f32 v56, v21;
	v24 =	vmul.f32 v37, v37;
	v49 =	vadd.f32 v49, v61  }
0x5f: {  	[tilespmem:$0x1FEC0] =	vst v26;
	v56 =	vld [tilespmem:s22+$0xFFFFFE70];
	v21 =	vmul.f32 v51, v51;
	v26 =	vmul.f32 v42, v42;
	v8 =	vadd.f32 v0, v54  }
0x60: {  	v15 =	vadd.f32 v9, v25;
	v22 =	vmul.f32 v50, v50;
	v47 =	vadd.f32 v47, v58;
	v54 =	vld [tilespmem:s22+$0x90]  }
0x61: {  	v25 =	vld [tilespmem:s22+$0xFFFFFE10];
	v20 =	vmul.f32 v43, v43;
	v19 =	vadd.f32 v46, v8;
	v8 =	vmul.f32 v44, v44  }
0x62: {  	[tilespmem:$0x1FF50] =	vst v17;
	v9 =	vmul.f32 v48, v48;
	v58 =	vld [tilespmem:s22+$0xFFFFFE50];
	v17 =	vadd.f32 v24, v23;
	v0 =	vmul.f32 v41, v41  }
0x63: {  	[tilespmem:$0x1FF40] =	vst v18;
	v24 =	vld [tilespmem:s22+$0xFFFFFE00];
	v47 =	vadd.f32 v47, v49;
	v18 =	vadd.f32 v20, v8;
	v8 =	vmul.f32 v45, v45  }
0x64: {  	[tilespmem:$0x1FFC0] =	vst v11;
	v11 =	vmul.f32 v52, v52;
	v49 =	vadd.f32 v22, v21;
	v22 =	vld [tilespmem:s22+$0x50];
	v61 =	vadd.f32 v0, v26  }
0x65: {  	v23 =	vmul.f32 v53, v53;
	v46 =	vld [tilespmem:s22+$0xFFFFFE30];
	v0 =	vmul.f32 v54, v54;
	v8 =	vadd.f32 v8, v9  }
0x66: {  	v21 =	vld [tilespmem:s22+$0x40];
	v9 =	vadd.f32 v61, v18;
	v61 =	vadd.f32 v17, v15  }
0x67: {  	v26 =	vld [tilespmem:s22+$0x70];
	v17 =	vmul.f32 v57, v57;
	v0 =	vadd.f32 v0, v10;
	v10 =	vadd.f32 v11, v23  }
0x68: {  	v23 =	vld [tilespmem:s22+$0x60];
	v11 =	vmul.f32 v60, v60;
	v8 =	vadd.f32 v8, v49;
	v49 =	vmul.f32 v56, v56  }
0x69: {  	v20 =	vld [tilespmem:s22+$0x30];
	v15 =	vadd.f32 v61, v9;
	v61 =	vmul.f32 v58, v58;
	v0 =	vadd.f32 v10, v0  }
0x6a: {  	[tilespmem:$0x1FFB0] =	vst v12;
	v18 =	vld [tilespmem:s22+$0x10];
	v9 =	vmul.f32 v46, v46;
	v10 =	vmul.f32 v62, v62;
	v17 =	vadd.f32 v49, v17  }
0x6b: {  	[tilespmem:$0x1FF90] =	vst v14;
	v49 =	vld [tilespmem:s22+$0x20];
	v14 =	vadd.f32 v8, v0;
	v8 =	vmul.f32 v24, v24;
	v0 =	vmul.f32 v25, v25  }
0x6c: {  	[tilespmem:$0x1FEA0] =	vst v29;
	v29 =	vld [tilespmem:s22+$0x190];
	v11 =	vadd.f32 v61, v11;
	v61 =	vadd.f32 v9, v10  }
0x6d: {  	[tilespmem:$0x1FE90] =	vst v31;
	v31 =	vld [tilespmem:s22+$0x1A0];
	v10 =	vmul.f32 v26, v26;
	v12 =	vmul.f32 v23, v23;
	v9 =	vadd.f32 v0, v8  }
0x6e: {  	[tilespmem:$0x1FEB0] =	vst v28;
	v28 =	vld [tilespmem:s22+$0x180];
	v17 =	vadd.f32 v17, v11;
	v8 =	vmul.f32 v21, v21;
	v0 =	vmul.f32 v22, v22  }
0x6f: {  	v11 =	vadd.f32 v61, v9;
	v61 =	vmul.f32 v16, v16;
	v9 =	vmul.f32 v18, v18  }
0x70: {  	[tilespmem:$0x1FFA0] =	vst v13;
	v13 =	vadd.f32 v0, v8;
	v8 =	vmul.f32 v49, v49;
	v0 =	vmul.f32 v20, v20  }
0x71: {  	(xrf2) =	vadd.scan.msk.f32 $0xffff, v63;
	v63 =	vmul.f32 v29, v29;
	v10 =	vadd.f32 v10, v12  }
0x72: {  	v12 =	vmul.f32 v31, v31;
	v9 =	vadd.f32 v9, v61;
	v0 =	vadd.f32 v0, v8  }
0x73: {  	v8 =	vmul.f32 v32, v32;
	v61 =	vmul.f32 v28, v28  }
0x74: {  	(xrf2) =	vadd.scan.msk.f32 $0xffff, v19;
	v0 =	vadd.f32 v0, v9;
	v9 =	vadd.f32 v10, v13  }
0x75: {  	(xrf2) =	vadd.scan.msk.f32 $0xffff, v47;
	v10 =	vadd.f32 v63, v61;
	v8 =	vadd.f32 v8, v12  }
0x76: {  	(xrf2) =	vadd.scan.msk.f32 $0xffff, v15;
	v11 =	vadd.f32 v17, v11;
	v0 =	vadd.f32 v9, v0  }
0x77: {  	(xrf2) =	vadd.scan.msk.f32 $0xffff, v14;
	v8 =	vadd.f32 v8, v10;
	v9 =	vadd.f32 v59, v27  }
0x78: {  	(xrf2) =	vadd.scan.msk.f32 $0xffff, v11  }
0x79: {  	(xrf2) =	vadd.scan.msk.f32 $0xffff, v0;
	v0 =	vadd.f32 v9, v8;
	_ =	sdelay $0x3  }
0x7a: {  	(xrf2) =	vadd.scan.msk.f32 $0xffff, v0;
	v0, _, _ =	vpop (xrf2)  }
0x7b: {  	v8, _, _ =	vpop (xrf2)  }
0x7c: {  	v9, _, _ =	vpop (xrf2)  }
0x7d: {  	v10, _, _ =	vpop (xrf2)  }
0x7e: {  	v11, _, _ =	vpop (xrf2)  }
0x7f: {  	v19, _, _ =	vpop (xrf2)  }
0x80: {  	v12 =	vbroadcast v19, $0xF  }
0x81: {  	v10 =	vbroadcast v10, $0xF;
	v27, _, _ =	vpop (xrf2)  }
0x82: {  	v8 =	vbroadcast v8, $0xF;
	v13 =	vbroadcast v27, $0xF;
	v12 =	vnsel vm0, $0x0, v12  }
0x83: {  	v0 =	vbroadcast v0, $0xF;
	v11 =	vbroadcast v11, $0xF;
	v10 =	vsel vm1, v12, v10  }
0x84: {  	v9 =	vbroadcast v9, $0xF;
	v47, _, _ =	vpop (xrf2);
	v8 =	vsel vm2, v10, v8;
	v10 =	vnsel vm0, $0x0, v13  }
0x85: {  	v0 =	vsel vm3, v8, v0;
	v8 =	vsel vm1, v10, v11;
	v10 =	vbroadcast v47, $0xF  }
0x86: {  	v8 =	vsel vm2, v8, v9;
	v0 =	vmul.f32 $7.812500000e-03, v0  }
0x87: {  	v8 =	vsel vm3, v8, v10  }
0x88: {  	v0 =	vadd.f32 $9.999999740e-06, v0;
	v8 =	vmul.f32 $7.812500000e-03, v8;
	_ =	sdelay $0x1  }
0x89: {  	v9 =	vshrl.u32 v0, $0x1;
	v0 =	vmul.f32 $5.000000000e-01, v0;
	v8 =	vadd.f32 $9.999999740e-06, v8  }
0x8a: {  	v9 =	vsub.s32 $0x5F3759DF, v9  }
0x8b: {  	v10 =	vshrl.u32 v8, $0x1;
	v8 =	vmul.f32 $5.000000000e-01, v8;
	v11 =	vmul.f32 v9, v0  }
0x8c: {  	v10 =	vsub.s32 $0x5F3759DF, v10  }
0x8d: {  	v11 =	vmul.f32 v9, v11;
	v59 =	vmul.f32 v10, v8;
	_ =	sdelay $0x1  }
0x8e: {  	v11 =	vsub.f32 $1.500000000e+00, v11;
	v12 =	vmul.f32 v10, v59;
	_ =	sdelay $0x1  }
0x8f: {  	v9 =	vmul.f32 v9, v11;
	v11 =	vsub.f32 $1.500000000e+00, v12;
	_ =	sdelay $0x1  }
0x90: {  	v10 =	vmul.f32 v10, v11;
	v0 =	vmul.f32 v9, v0;
	_ =	sdelay $0x1  }
0x91: {  	v0 =	vmul.f32 v0, v9;
	v8 =	vmul.f32 v10, v8;
	_ =	sdelay $0x1  }
0x92: {  	v0 =	vsub.f32 $1.500000000e+00, v0;
	v8 =	vmul.f32 v8, v10;
	_ =	sdelay $0x1  }
0x93: {  	v59 =	vmul.f32 v0, v9;
	v0 =	vsub.f32 $1.500000000e+00, v8;
	_ =	sdelay $0x1  }
0x94: {  	v63 =	vmul.f32 v0, v10;
	v0 =	vbroadcast v59, $0x0;
	_ =	sdelay $0x1  }
0x95: {  	v8 =	vmul.f32 v0, v25  }
0x96: {  	v9 =	vbroadcast v63, $0x0  }
0x97: {  	v10 =	vmul.f32 v0, v24;
	v8 =	vmul.f32 v8, v1  }
0x98: {  	v11 =	vmul.f32 v9, v16;
	v12 =	vmul.f32 v9, v18  }
0x99: {  	v61 =	vmul.f32 v9, v49;
	v24 =	vmul.f32 v9, v20  }
0x9a: {  	v25 =	vmul.f32 v9, v21;
	v27 =	vmul.f32 v9, v22  }
0x9b: {  	v47 =	vmul.f32 v9, v23;
	v9 =	vmul.f32 v9, v26  }
0x9c: {  	v10 =	vmul.f32 v10, v30;
	v20 =	vmul.f32 v0, v58  }
0x9d: {  	v21 =	vmul.f32 v0, v57;
	v22 =	vbroadcast v59, $0x1  }
0x9e: {  	[tilespmem:s22+$0xFFFFFE10] =	vst v8;
	v8 =	vmul.f32 v0, v62;
	v11 =	vmul.f32 v11, v30  }
0x9f: {  	[tilespmem:s22+$0xFFFFFE00] =	vst v10;
	v10 =	vmul.f32 v12, v1;
	v49 =	vmul.f32 v61, v2  }
0xa0: {  	v61 =	vmul.f32 v25, v4;
	v62 =	vmul.f32 v0, v60;
	[tilespmem:s22+$0x0] =	vst v11  }
0xa1: {  	v9 =	vmul.f32 v9, v7;
	v12 =	vmul.f32 v20, v5;
	[tilespmem:s22+$0x10] =	vst v10  }
0xa2: {  	v11 =	vmul.f32 v24, v3;
	v10 =	vmul.f32 v0, v46;
	[tilespmem:s22+$0x20] =	vst v49  }
0xa3: {  	v0 =	vmul.f32 v0, v56;
	v8 =	vmul.f32 v8, v2;
	[tilespmem:s22+$0x70] =	vst v9  }
0xa4: {  	v9 =	vbroadcast v63, $0x1;
	[tilespmem:s22+$0x30] =	vst v11;
	v11 =	vmul.f32 v27, v5  }
0xa5: {  	v10 =	vmul.f32 v10, v3;
	[tilespmem:s22+$0xFFFFFE20] =	vst v8;
	v8 =	vmul.f32 v21, v6  }
0xa6: {  	v0 =	vmul.f32 v0, v7;
	[tilespmem:s22+$0x50] =	vst v11;
	v11 =	vmul.f32 v62, v4  }
0xa7: {  	[tilespmem:s22+$0xFFFFFE50] =	vst v12;
	v24 =	vmul.f32 v9, v54;
	v25 =	vmul.f32 v9, v52  }
0xa8: {  	v26 =	vmul.f32 v9, v51;
	[tilespmem:s22+$0xFFFFFE40] =	vst v11;
	v11 =	vmul.f32 v9, v53  }
0xa9: {  	v27 =	vmul.f32 v9, v48;
	[tilespmem:s22+$0xFFFFFE30] =	vst v10;
	v10 =	vmul.f32 v9, v55  }
0xaa: {  	[tilespmem:s22+$0xFFFFFE60] =	vst v8;
	v8 =	vmul.f32 v9, v50;
	v11 =	vmul.f32 v11, v2  }
0xab: {  	[tilespmem:s22+$0xFFFFFE70] =	vst v0;
	v0 =	vmul.f32 v9, v45;
	v9 =	vmul.f32 v24, v1  }
0xac: {  	[tilespmem:s22+$0xA0] =	vst v11;
	v11 =	vmul.f32 v26, v4  }
0xad: {  	v8 =	vmul.f32 v8, v5;
	[tilespmem:s22+$0x90] =	vst v9;
	v9 =	vmul.f32 v22, v43  }
0xae: {  	v0 =	vmul.f32 v0, v7;
	[tilespmem:s22+$0xC0] =	vst v11;
	v11 =	vmul.f32 v22, v42  }
0xaf: {  	[tilespmem:s22+$0xD0] =	vst v8;
	v8 =	vmul.f32 v22, v41;
	v9 =	vmul.f32 v9, v1  }
0xb0: {  	v48 =	vmul.f32 v22, v40;
	[tilespmem:s22+$0xF0] =	vst v0;
	v11 =	vmul.f32 v11, v2  }
0xb1: {  	v50 =	vmul.f32 v22, v38;
	v8 =	vmul.f32 v8, v3;
	[tilespmem:s22+$0xFFFFFE90] =	vst v9  }
0xb2: {  	v9 =	vmul.f32 v48, v4;
	[tilespmem:s22+$0xFFFFFEA0] =	vst v11;
	v11 =	vbroadcast v63, $0x2  }
0xb3: {  	v10 =	vmul.f32 v10, v30;
	v0 =	vmul.f32 v22, v37;
	[tilespmem:s22+$0xFFFFFEB0] =	vst v8  }
0xb4: {  	v8 =	vmul.f32 v50, v6;
	[tilespmem:s22+$0xFFFFFEC0] =	vst v9;
	v9 =	vmul.f32 v11, v36  }
0xb5: {  	[tilespmem:s22+$0x80] =	vst v10;
	v0 =	vmul.f32 v0, v7;
	v51 =	vmul.f32 v11, v35  }
0xb6: {  	v54 =	vld [tilespmem:$0x1FE80];
	v10 =	vmul.f32 v22, v44;
	[tilespmem:s22+$0xFFFFFEE0] =	vst v8;
	v8 =	vmul.f32 v9, v30  }
0xb7: {  	v55 =	vld [tilespmem:$0x1FEA0];
	[tilespmem:s22+$0xFFFFFEF0] =	vst v0;
	v52 =	vmul.f32 v11, v34;
	v9 =	vmul.f32 v51, v1  }
0xb8: {  	v49 =	vmul.f32 v22, v39;
	v10 =	vmul.f32 v10, v30;
	[tilespmem:s22+$0x100] =	vst v8;
	v8 =	vld [tilespmem:$0x1FE90]  }
0xb9: {  	v0 =	vmul.f32 v52, v2;
	[tilespmem:s22+$0x110] =	vst v9;
	v9 =	vld [tilespmem:$0x1FEB0]  }
0xba: {  	v12 =	vmul.f32 v49, v5;
	[tilespmem:s22+$0xFFFFFE80] =	vst v10  }
0xbb: {  	v10 =	vbroadcast v59, $0x2;
	[tilespmem:s22+$0x120] =	vst v0;
	v0 =	vld [tilespmem:$0x1FEC0]  }
0xbc: {  	[tilespmem:s22+$0xFFFFFED0] =	vst v12;
	v53 =	vmul.f32 v11, v33;
	v12 =	vmul.f32 v11, v54  }
0xbd: {  	v13 =	vmul.f32 v11, v55;
	v8 =	vmul.f32 v11, v8  }
0xbe: {  	v9 =	vmul.f32 v11, v9;
	v11 =	vmul.f32 v53, v3  }
0xbf: {  	v57 =	vld [tilespmem:$0x1FF20];
	v8 =	vmul.f32 v8, v5  }
0xc0: {  	v56 =	vld [tilespmem:$0x1FED0];
	v0 =	vmul.f32 v10, v0;
	[tilespmem:s22+$0x130] =	vst v11;
	v11 =	vmul.f32 v13, v6  }
0xc1: {  	v9 =	vmul.f32 v9, v7;
	[tilespmem:s22+$0x150] =	vst v8;
	v8 =	vld [tilespmem:$0x1FEE0]  }
0xc2: {  	v0 =	vmul.f32 v0, v30;
	[tilespmem:s22+$0x160] =	vst v11;
	v11 =	vld [tilespmem:$0x1FEF0]  }
0xc3: {  	[tilespmem:s22+$0x170] =	vst v9;
	v9 =	vld [tilespmem:$0x1FF00]  }
0xc4: {  	v12 =	vmul.f32 v12, v4;
	[tilespmem:s22+$0xFFFFFF00] =	vst v0;
	v0 =	vld [tilespmem:$0x1FF10]  }
0xc5: {  	v58 =	vld [tilespmem:$0x1FF30]  }
0xc6: {  	[tilespmem:s22+$0x140] =	vst v12;
	v12 =	vmul.f32 v10, v56  }
0xc7: {  	v13 =	vmul.f32 v10, v57;
	v8 =	vmul.f32 v10, v8  }
0xc8: {  	v11 =	vmul.f32 v10, v11;
	v9 =	vmul.f32 v10, v9  }
0xc9: {  	v0 =	vmul.f32 v10, v0;
	v8 =	vmul.f32 v8, v2  }
0xca: {  	v10 =	vmul.f32 v10, v58;
	v11 =	vmul.f32 v11, v3  }
0xcb: {  	[tilespmem:s22+$0xFFFFFF20] =	vst v8;
	v8 =	vmul.f32 v9, v4;
	v9 =	vbroadcast v63, $0x3  }
0xcc: {  	v0 =	vmul.f32 v0, v5;
	[tilespmem:s22+$0xFFFFFF30] =	vst v11;
	v11 =	vmul.f32 v13, v6  }
0xcd: {  	[tilespmem:s22+$0xFFFFFF40] =	vst v8;
	v8 =	vmul.f32 v10, v7;
	v10 =	vmul.f32 v9, v28  }
0xce: {  	[tilespmem:s22+$0xFFFFFF50] =	vst v0;
	v0 =	vmul.f32 v9, v29  }
0xcf: {  	[tilespmem:s22+$0xFFFFFF60] =	vst v11;
	v11 =	vmul.f32 v9, v32;
	v10 =	vmul.f32 v10, v30  }
0xd0: {  	v0 =	vmul.f32 v0, v1  }
0xd1: {  	[tilespmem:s22+$0x180] =	vst v10;
	v10 =	vmul.f32 v11, v3;
	v11 =	vld [tilespmem:$0x1FF40]  }
0xd2: {  	[tilespmem:s22+$0x190] =	vst v0;
	v0 =	vld [tilespmem:$0x1FF50]  }
0xd3: {  	[tilespmem:s22+$0x40] =	vst v61;
	v61 =	vld [tilespmem:$0x1FF60]  }
0xd4: {  	v62 =	vld [tilespmem:$0x1FF70];
	v60 =	vmul.f32 v9, v31  }
0xd5: {  	v12 =	vmul.f32 v12, v1  }
0xd6: {  	[tilespmem:s22+$0xFFFFFF70] =	vst v8;
	v8 =	vmul.f32 v60, v2;
	v11 =	vmul.f32 v9, v11  }
0xd7: {  	[tilespmem:s22+$0xFFFFFF10] =	vst v12;
	v0 =	vmul.f32 v9, v0  }
0xd8: {  	v12 =	vmul.f32 v9, v61;
	[tilespmem:s22+$0x1A0] =	vst v8;
	v8 =	vmul.f32 v11, v4  }
0xd9: {  	[tilespmem:s22+$0x1B0] =	vst v10;
	v9 =	vmul.f32 v9, v62;
	v0 =	vmul.f32 v0, v5  }
0xda: {  	v10 =	vld [tilespmem:$0x1FF80];
	[tilespmem:s22+$0x1C0] =	vst v8;
	v8 =	vmul.f32 v12, v6  }
0xdb: {  	[tilespmem:s22+$0x1D0] =	vst v0;
	v0 =	vmul.f32 v9, v7;
	v9 =	vld [tilespmem:$0x1FF90]  }
0xdc: {  	[tilespmem:s22+$0x1E0] =	vst v8;
	v8 =	vld [tilespmem:$0x1FFA0]  }
0xdd: {  	v11 =	vbroadcast v59, $0x3;
	_ =	sdelay $0x1  }
0xde: {  	v10 =	vmul.f32 v11, v10  }
0xdf: {  	v9 =	vmul.f32 v11, v9  }
0xe0: {  	v10 =	vmul.f32 v10, v30;
	v8 =	vmul.f32 v11, v8  }
0xe1: {  	[tilespmem:s22+$0x1F0] =	vst v0;
	v0 =	vld [tilespmem:$0x1FFB0];
	v9 =	vmul.f32 v9, v1  }
0xe2: {  	[tilespmem:s22+$0xFFFFFF80] =	vst v10;
	v10 =	vld [tilespmem:$0x1FFC0];
	v8 =	vmul.f32 v8, v2  }
0xe3: {  	[tilespmem:s22+$0xFFFFFF90] =	vst v9;
	v9 =	vld [tilespmem:$0x1FFD0]  }
0xe4: {  	[tilespmem:s22+$0xFFFFFFA0] =	vst v8;
	v8 =	vld [tilespmem:$0x1FFE0]  }
0xe5: {  	v23 =	vmul.f32 v47, v6;
	v63 =	vld [tilespmem:$0x1FFF0]  }
0xe6: {  	v46 =	vmul.f32 v25, v3;
	v0 =	vmul.f32 v11, v0  }
0xe7: {  	[tilespmem:s22+$0x60] =	vst v23;
	v47 =	vmul.f32 v27, v6;
	v10 =	vmul.f32 v11, v10  }
0xe8: {  	[tilespmem:s22+$0xB0] =	vst v46;
	v0 =	vmul.f32 v0, v3;
	v9 =	vmul.f32 v11, v9  }
0xe9: {  	[tilespmem:s22+$0xE0] =	vst v47;
	v10 =	vmul.f32 v10, v4;
	v8 =	vmul.f32 v11, v8  }
0xea: {  	[tilespmem:s22+$0xFFFFFFB0] =	vst v0;
	v11 =	vmul.f32 v11, v63;
	v0 =	vmul.f32 v9, v5  }
0xeb: {  	[tilespmem:s22+$0xFFFFFFC0] =	vst v10  }
0xec: {  	s23 =	simm.s32 $0x0;
	s24 =	sadd.s32 $0x400, s22;
	[tilespmem:s22+$0xFFFFFFD0] =	vst v0;
	v8 =	vmul.f32 v8, v6;
	v0 =	vmul.f32 v11, v7  }
.LBB2_3:
0xed: {  	v9 =	vld [tilespmem:s24+$0xFFFFFFF0]  }
0xee: {  	v12 =	vld [tilespmem:s24+$0xFFFFFFA0]  }
0xef: {  	v15 =	vld [tilespmem:s24+$0xFFFFFF90]  }
0xf0: {  	v14 =	vld [tilespmem:s24+$0xFFFFFF80]  }
0xf1: {  	v16 =	vld [tilespmem:s24+$0x1F0]  }
0xf2: {  	v17 =	vld [tilespmem:s24+$0x1E0]  }
0xf3: {  	v18 =	vld [tilespmem:s24+$0x1D0]  }
0xf4: {  	v19 =	vld [tilespmem:s24+$0x1C0]  }
0xf5: {  	v29 =	vld [tilespmem:s24+$0x1B0]  }
0xf6: {  	v20 =	vld [tilespmem:s24+$0xFFFFFF70]  }
0xf7: {  	v21 =	vld [tilespmem:s24+$0xFFFFFF60]  }
0xf8: {  	v22 =	vld [tilespmem:s24+$0xFFFFFF50]  }
0xf9: {  	v23 =	vld [tilespmem:s24+$0xFFFFFF40]  }
0xfa: {  	v24 =	vld [tilespmem:s24+$0xFFFFFF30]  }
0xfb: {  	v25 =	vld [tilespmem:s24+$0xFFFFFF20]  }
0xfc: {  	v26 =	vld [tilespmem:s24+$0xFFFFFF10]  }
0xfd: {  	v33 =	vld [tilespmem:s24+$0xFFFFFF00]  }
0xfe: {  	v27 =	vld [tilespmem:s24+$0x170]  }
0xff: {  	v28 =	vld [tilespmem:s24+$0x160]  }
0x100: {  	v45 =	vld [tilespmem:s24+$0x150]  }
0x101: {  	v31 =	vld [tilespmem:s24+$0x140]  }
0x102: {  	v32 =	vld [tilespmem:s24+$0x130]  }
0x103: {  	v34 =	vld [tilespmem:s24+$0x120]  }
0x104: {  	v35 =	vld [tilespmem:s24+$0x110]  }
0x105: {  	v36 =	vld [tilespmem:s24+$0x100];
	[tilespmem:s22+$0xFFFFFFE0] =	vst v8  }
0x106: {  	v8 =	vld [tilespmem:s24+$0xFFFFFFE0]  }
0x107: {  	[tilespmem:s22+$0xFFFFFFF0] =	vst v0;
	v13 =	vld [tilespmem:s24+$0xFFFFFFB0]  }
0x108: {  	v11 =	vld [tilespmem:s24+$0xFFFFFFD0]  }
0x109: {  	v10 =	vld [tilespmem:s24+$0xFFFFFFC0];
	[tilespmem:$0x1FE70] =	vst v9;
	v59 =	vmul.f32 v14, v14;
	v60 =	vmul.f32 v15, v15  }
0x10a: {  	v38 =	vld [tilespmem:s24+$0xFFFFFEE0];
	[tilespmem:$0x1FE10] =	vst v15;
	v61 =	vmul.f32 v21, v21;
	v62 =	vmul.f32 v20, v20  }
0x10b: {  	v41 =	vld [tilespmem:s24+$0xFFFFFEB0];
	[tilespmem:$0x1FDB0] =	vst v20;
	v63 =	vmul.f32 v33, v33;
	v20 =	vmul.f32 v26, v26  }
0x10c: {  	v46 =	vld [tilespmem:s24+$0xFFFFFE90];
	[tilespmem:$0x1FDA0] =	vst v21;
	v21 =	vmul.f32 v31, v31;
	v48 =	vmul.f32 v35, v35  }
0x10d: {  	v50 =	vld [tilespmem:s24+$0xFFFFFE80];
	[tilespmem:$0x1FE60] =	vst v8;
	v0 =	vmul.f32 v8, v8;
	v8 =	vmul.f32 v9, v9  }
0x10e: {  	v37 =	vld [tilespmem:s24+$0xFFFFFEF0];
	v58 =	vmul.f32 v13, v13;
	[tilespmem:$0x1FE50] =	vst v11;
	v9 =	vmul.f32 v10, v10  }
0x10f: {  	v49 =	vld [tilespmem:s24+$0xC0];
	v15 =	vadd.f32 v20, v63;
	[tilespmem:$0x1FE40] =	vst v10;
	v10 =	vmul.f32 v11, v11;
	v11 =	vmul.f32 v12, v12  }
0x110: {  	v39 =	vld [tilespmem:s24+$0xFFFFFED0];
	[tilespmem:$0x1FD50] =	vst v26;
	v26 =	vmul.f32 v38, v38;
	v0 =	vadd.f32 v8, v0;
	v8 =	vadd.f32 v60, v59  }
0x111: {  	v40 =	vld [tilespmem:s24+$0xFFFFFEC0];
	[tilespmem:$0x1FE20] =	vst v12;
	v51 =	vmul.f32 v41, v41;
	v9 =	vadd.f32 v10, v9;
	v10 =	vadd.f32 v58, v11  }
0x112: {  	v42 =	vld [tilespmem:s24+$0xFFFFFEA0];
	[tilespmem:$0x1FE00] =	vst v14;
	v63 =	vmul.f32 v46, v46;
	v12 =	vadd.f32 v62, v61;
	v62 =	vmul.f32 v50, v50  }
0x113: {  	v47 =	vld [tilespmem:s24+$0xD0];
	[tilespmem:$0x1FDF0] =	vst v16;
	v8 =	vadd.f32 v10, v8;
	v0 =	vadd.f32 v0, v9;
	v9 =	vmul.f32 v17, v17  }
0x114: {  	v43 =	vld [tilespmem:s24+$0xF0];
	[tilespmem:$0x1FDE0] =	vst v17;
	v10 =	vmul.f32 v16, v16;
	v17 =	vmul.f32 v49, v49  }
0x115: {  	v44 =	vld [tilespmem:s24+$0xE0];
	[tilespmem:$0x1FD90] =	vst v22;
	v14 =	vadd.f32 v0, v8;
	v0 =	vmul.f32 v19, v19;
	v8 =	vmul.f32 v18, v18  }
0x116: {  	v52 =	vld [tilespmem:s24+$0xB0];
	[tilespmem:$0x1FD80] =	vst v23;
	v11 =	vadd.f32 v10, v9;
	v9 =	vmul.f32 v23, v23;
	v10 =	vmul.f32 v22, v22  }
0x117: {  	v53 =	vld [tilespmem:s24+$0xA0];
	[tilespmem:$0x1FD20] =	vst v45;
	v22 =	vmul.f32 v45, v45;
	v23 =	vmul.f32 v34, v34  }
0x118: {  	v54 =	vld [tilespmem:s24+$0x90];
	[tilespmem:$0x1FE30] =	vst v13;
	v45 =	vmul.f32 v47, v47;
	v13 =	vadd.f32 v8, v0;
	v0 =	vmul.f32 v25, v25  }
0x119: {  	v55 =	vld [tilespmem:s24+$0x80];
	[tilespmem:$0x1FD70] =	vst v24;
	v8 =	vmul.f32 v24, v24;
	v9 =	vadd.f32 v10, v9;
	v10 =	vmul.f32 v27, v27  }
0x11a: {  	v56 =	vld [tilespmem:s24+$0xFFFFFE70];
	[tilespmem:$0x1FD60] =	vst v25;
	v24 =	vmul.f32 v32, v32;
	v25 =	vmul.f32 v36, v36  }
0x11b: {  	v57 =	vld [tilespmem:s24+$0xFFFFFE60];
	[tilespmem:$0x1FD40] =	vst v27;
	v16 =	vadd.f32 v22, v21;
	v27 =	vmul.f32 v37, v37;
	v21 =	vmul.f32 v40, v40  }
0x11c: {  	v59 =	vld [tilespmem:s24+$0xFFFFFE40];
	v17 =	vadd.f32 v45, v17;
	v0 =	vadd.f32 v8, v0;
	v8 =	vmul.f32 v28, v28  }
0x11d: {  	v60 =	vld [tilespmem:s24+$0xFFFFFE30];
	v22 =	vmul.f32 v39, v39;
	v9 =	vadd.f32 v12, v9;
	v12 =	vadd.f32 v24, v23  }
0x11e: {  	v58 =	vld [tilespmem:s24+$0xFFFFFE50];
	v23 =	vmul.f32 v42, v42;
	v8 =	vadd.f32 v10, v8;
	v10 =	vadd.f32 v48, v25  }
0x11f: {  	(xrf2) =	vadd.scan.msk.f32 $0xffff, v14;
	v14 =	vld [tilespmem:s24+$0x30];
	v24 =	vmul.f32 v52, v52;
	v0 =	vadd.f32 v0, v15;
	v25 =	vadd.f32 v63, v62  }
0x120: {  	v15 =	vmul.f32 v43, v43;
	v62 =	vld [tilespmem:s24+$0x70];
	v8 =	vadd.f32 v8, v16;
	v10 =	vadd.f32 v12, v10  }
0x121: {  	v48 =	vadd.f32 v51, v23;
	v51 =	vmul.f32 v53, v53;
	v63 =	vld [tilespmem:s24+$0x60];
	v61 =	vadd.f32 v9, v0  }
0x122: {  	[tilespmem:$0x1FDD0] =	vst v18;
	v0 =	vld [tilespmem:s24+$0xFFFFFE20];
	v16 =	vadd.f32 v22, v21;
	v18 =	vadd.f32 v8, v10;
	v8 =	vmul.f32 v44, v44  }
0x123: {  	v9 =	vld [tilespmem:s24+$0xFFFFFE10];
	v10 =	vadd.f32 v27, v26;
	v26 =	vmul.f32 v55, v55;
	v27 =	vmul.f32 v54, v54  }
0x124: {  	[tilespmem:$0x1FDC0] =	vst v19;
	v12 =	vld [tilespmem:s24+$0xFFFFFE00];
	v19 =	vadd.f32 v24, v51;
	v20 =	vadd.f32 v48, v25  }
0x125: {  	v24 =	vmul.f32 v57, v57;
	v15 =	vadd.f32 v15, v8;
	v8 =	vld [tilespmem:s24+$0x50];
	v21 =	vadd.f32 v27, v26  }
0x126: {  	v25 =	vmul.f32 v56, v56;
	(xrf2) =	vadd.scan.msk.f32 $0xffff, v61;
	v61 =	vmul.f32 v60, v60;
	v16 =	vadd.f32 v10, v16;
	v10 =	vld [tilespmem:s24+$0x40]  }
0x127: {  	v26 =	vmul.f32 v59, v59;
	v19 =	vadd.f32 v19, v21;
	v17 =	vadd.f32 v15, v17;
	v15 =	vld [tilespmem:s24+$0x20]  }
0x128: {  	v27 =	vmul.f32 v58, v58;
	v51 =	vmul.f32 v0, v0;
	v20 =	vadd.f32 v16, v20;
	v16 =	vld [tilespmem:s24+$0x10]  }
0x129: {  	v22 =	vmul.f32 v12, v12;
	v23 =	vmul.f32 v9, v9;
	v19 =	vadd.f32 v17, v19;
	v17 =	vld [tilespmem:s24+$0x0]  }
0x12a: {  	v45 =	vld [tilespmem:s24+$0x1A0];
	v21 =	vadd.f32 v25, v24;
	v24 =	vadd.f32 v27, v26;
	v25 =	vmul.f32 v62, v62  }
0x12b: {  	v48 =	vld [tilespmem:s24+$0x190];
	(xrf2) =	vadd.scan.msk.f32 $0xffff, v18;
	v27 =	vmul.f32 v14, v14;
	v18 =	vadd.f32 v61, v51;
	v22 =	vadd.f32 v23, v22  }
0x12c: {  	v61 =	vmul.f32 v63, v63;
	v51 =	vld [tilespmem:s24+$0x180];
	v21 =	vadd.f32 v21, v24;
	v23 =	vmul.f32 v10, v10  }
0x12d: {  	v26 =	vmul.f32 v8, v8;
	v18 =	vadd.f32 v18, v22;
	v24 =	vmul.f32 v15, v15  }
0x12e: {  	(xrf2) =	vadd.scan.msk.f32 $0xffff, v20;
	v25 =	vadd.f32 v25, v61;
	v22 =	vmul.f32 v16, v16;
	v20 =	vmul.f32 v17, v17  }
0x12f: {  	[tilespmem:$0x1FD30] =	vst v28;
	v23 =	vadd.f32 v26, v23;
	v26 =	vmul.f32 v29, v29;
	v18 =	vadd.f32 v21, v18  }
0x130: {  	v28, _, _ =	vpop (xrf2);
	(xrf2) =	vadd.scan.msk.f32 $0xffff, v19;
	v21 =	vmul.f32 v48, v48;
	v61 =	vadd.f32 v27, v24;
	v20 =	vadd.f32 v22, v20  }
0x131: {  	v19 =	vmul.f32 v51, v51;
	v24 =	vmul.f32 v45, v45;
	v27, _, _ =	vpop (xrf2);
	(xrf2) =	vadd.scan.msk.f32 $0xffff, v18  }
0x132: {  	v25 =	vadd.f32 v25, v23;
	v61 =	vadd.f32 v61, v20  }
0x133: {  	v19 =	vadd.f32 v21, v19;
	v26 =	vadd.f32 v26, v24  }
0x134: {  	v61 =	vadd.f32 v25, v61  }
0x135: {  	v11 =	vadd.f32 v11, v13;
	v19 =	vadd.f32 v26, v19  }
0x136: {  	v20, _, _ =	vpop (xrf2);
	(xrf2) =	vadd.scan.msk.f32 $0xffff, v61  }
0x137: {  	v24 =	vadd.f32 v11, v19;
	_ =	sdelay $0x1  }
0x138: {  	v25, _, _ =	vpop (xrf2);
	(xrf2) =	vadd.scan.msk.f32 $0xffff, v24  }
0x139: {  	v11, _, _ =	vpop (xrf2)  }
0x13a: {  	v26, _, _ =	vpop (xrf2)  }
0x13b: {  	v18 =	vbroadcast v26, $0xF  }
0x13c: {  	v13 =	vbroadcast v25, $0xF  }
0x13d: {  	v61 =	vbroadcast v27, $0xF;
	v18 =	vnsel vm0, $0x0, v18  }
0x13e: {  	v25 =	vbroadcast v28, $0xF;
	v13 =	vsel vm1, v18, v13  }
0x13f: {  	v13 =	vsel vm2, v13, v61;
	v24, _, _ =	vpop (xrf2)  }
0x140: {  	v13 =	vsel vm3, v13, v25;
	v21 =	vbroadcast v24, $0xF  }
0x141: {  	v11 =	vbroadcast v11, $0xF;
	v13 =	vmul.f32 $7.812500000e-03, v13  }
0x142: {  	v27 =	vbroadcast v20, $0xF;
	v61, _, _ =	vpop (xrf2);
	v26 =	vnsel vm0, $0x0, v21  }
0x143: {  	v13 =	vadd.f32 $9.999999740e-06, v13;
	v24 =	vbroadcast v61, $0xF;
	v11 =	vsel vm1, v26, v11  }
0x144: {  	v11 =	vsel vm2, v11, v27  }
0x145: {  	v25 =	vshrl.u32 v13, $0x1;
	v13 =	vmul.f32 $5.000000000e-01, v13;
	v11 =	vsel vm3, v11, v24  }
0x146: {  	v18 =	vsub.s32 $0x5F3759DF, v25;
	v11 =	vmul.f32 $7.812500000e-03, v11  }
0x147: {  	v26 =	vmul.f32 v18, v13  }
0x148: {  	v11 =	vadd.f32 $9.999999740e-06, v11  }
0x149: {  	v19 =	vmul.f32 v18, v26  }
0x14a: {  	v27 =	vshrl.u32 v11, $0x1;
	v11 =	vmul.f32 $5.000000000e-01, v11  }
0x14b: {  	v19 =	vsub.f32 $1.500000000e+00, v19;
	v20 =	vsub.s32 $0x5F3759DF, v27  }
0x14c: {  	v61 =	vmul.f32 v20, v11  }
0x14d: {  	v18 =	vmul.f32 v18, v19  }
0x14e: {  	v21 =	vmul.f32 v20, v61  }
0x14f: {  	v13 =	vmul.f32 v18, v13  }
0x150: {  	v21 =	vsub.f32 $1.500000000e+00, v21  }
0x151: {  	v13 =	vmul.f32 v13, v18  }
0x152: {  	v19 =	vmul.f32 v20, v21  }
0x153: {  	v13 =	vsub.f32 $1.500000000e+00, v13  }
0x154: {  	v11 =	vmul.f32 v19, v11  }
0x155: {  	v61 =	vmul.f32 v13, v18  }
0x156: {  	v11 =	vmul.f32 v11, v19  }
0x157: {  	v18 =	vbroadcast v61, $0x0  }
0x158: {  	v20 =	vbroadcast v61, $0x1;
	v13 =	vbroadcast v61, $0x2;
	v11 =	vsub.f32 $1.500000000e+00, v11  }
0x159: {  	v9 =	vmul.f32 v18, v9;
	v0 =	vmul.f32 v18, v0  }
0x15a: {  	v27 =	vmul.f32 v18, v60;
	v11 =	vmul.f32 v11, v19  }
0x15b: {  	v60 =	vmul.f32 v18, v57;
	v0 =	vmul.f32 v0, v2  }
0x15c: {  	v9 =	vmul.f32 v9, v1;
	v19 =	vbroadcast v11, $0x0  }
0x15d: {  	v12 =	vmul.f32 v18, v12;
	[tilespmem:s24+$0xFFFFFE20] =	vst v0;
	v0 =	vmul.f32 v60, v6  }
0x15e: {  	[tilespmem:s24+$0xFFFFFE10] =	vst v9;
	v17 =	vmul.f32 v19, v17;
	v9 =	vmul.f32 v19, v15  }
0x15f: {  	v14 =	vmul.f32 v19, v14;
	v10 =	vmul.f32 v19, v10  }
0x160: {  	v8 =	vmul.f32 v19, v8;
	v22 =	vmul.f32 v17, v30  }
0x161: {  	[tilespmem:s24+$0xFFFFFE60] =	vst v0;
	v24 =	vmul.f32 v19, v63;
	v9 =	vmul.f32 v9, v2  }
0x162: {  	v25 =	vmul.f32 v19, v62;
	v23 =	vmul.f32 v14, v3;
	[tilespmem:s24+$0x0] =	vst v22  }
0x163: {  	v62 =	vmul.f32 v18, v56;
	[tilespmem:s24+$0x20] =	vst v9;
	v9 =	vmul.f32 v10, v4  }
0x164: {  	v63 =	vbroadcast v11, $0x1;
	v8 =	vmul.f32 v8, v5;
	[tilespmem:s24+$0x30] =	vst v23  }
0x165: {  	v26 =	vmul.f32 v25, v7;
	[tilespmem:s24+$0x40] =	vst v9;
	v9 =	vmul.f32 v18, v59  }
0x166: {  	v10 =	vmul.f32 v24, v6;
	[tilespmem:s24+$0x50] =	vst v8;
	v59 =	vmul.f32 v18, v58  }
0x167: {  	v0 =	vmul.f32 v63, v53;
	[tilespmem:s24+$0x70] =	vst v26;
	v9 =	vmul.f32 v9, v4  }
0x168: {  	v25 =	vmul.f32 v63, v47;
	[tilespmem:s24+$0x60] =	vst v10;
	v10 =	vmul.f32 v59, v5  }
0x169: {  	v14 =	vmul.f32 v63, v43;
	v8 =	vmul.f32 v27, v3;
	[tilespmem:s24+$0xFFFFFE40] =	vst v9  }
0x16a: {  	v9 =	vmul.f32 v62, v7;
	[tilespmem:s24+$0xFFFFFE50] =	vst v10;
	v10 =	vmul.f32 v63, v55  }
0x16b: {  	v22 =	vmul.f32 v63, v54;
	v0 =	vmul.f32 v0, v2;
	[tilespmem:s24+$0xFFFFFE30] =	vst v8  }
0x16c: {  	v23 =	vmul.f32 v63, v52;
	[tilespmem:s24+$0xFFFFFE70] =	vst v9;
	v9 =	vmul.f32 v10, v30  }
0x16d: {  	v8 =	vmul.f32 v20, v50;
	[tilespmem:s24+$0xA0] =	vst v0;
	v10 =	vmul.f32 v22, v1  }
0x16e: {  	v14 =	vmul.f32 v14, v7;
	[tilespmem:s24+$0x80] =	vst v9;
	v9 =	vmul.f32 v63, v49  }
0x16f: {  	v8 =	vmul.f32 v8, v30;
	[tilespmem:s24+$0x90] =	vst v10;
	v10 =	vmul.f32 v63, v44  }
0x170: {  	[tilespmem:s24+$0xF0] =	vst v14;
	v0 =	vmul.f32 v9, v4;
	v9 =	vmul.f32 v25, v5  }
0x171: {  	v26 =	vmul.f32 v20, v41;
	[tilespmem:s24+$0xFFFFFE80] =	vst v8;
	v10 =	vmul.f32 v10, v6  }
0x172: {  	v27 =	vmul.f32 v20, v39;
	[tilespmem:s24+$0xD0] =	vst v9;
	v9 =	vmul.f32 v20, v40  }
0x173: {  	v39 =	vmul.f32 v20, v38;
	[tilespmem:s24+$0xE0] =	vst v10;
	v10 =	vmul.f32 v26, v3  }
0x174: {  	v41 =	vbroadcast v11, $0x2;
	[tilespmem:s24+$0xC0] =	vst v0;
	v8 =	vmul.f32 v9, v4  }
0x175: {  	v47 =	vld [tilespmem:$0x1FD20];
	v0 =	vmul.f32 v20, v42;
	v9 =	vmul.f32 v27, v5;
	[tilespmem:s24+$0xFFFFFEB0] =	vst v10  }
0x176: {  	v43 =	vmul.f32 v41, v35;
	v10 =	vmul.f32 v39, v6;
	[tilespmem:s24+$0xFFFFFEC0] =	vst v8  }
0x177: {  	v52 =	vld [tilespmem:$0x1FD50];
	v0 =	vmul.f32 v0, v2;
	v8 =	vmul.f32 v41, v36;
	[tilespmem:s24+$0xFFFFFED0] =	vst v9  }
0x178: {  	v9 =	vmul.f32 v41, v34;
	[tilespmem:s24+$0xFFFFFEE0] =	vst v10;
	v10 =	vmul.f32 v43, v1  }
0x179: {  	v54 =	vld [tilespmem:$0x1FD80];
	[tilespmem:s24+$0xFFFFFEA0] =	vst v0;
	v0 =	vmul.f32 v13, v33;
	v8 =	vmul.f32 v8, v30  }
0x17a: {  	v14 =	vmul.f32 v41, v47;
	v9 =	vmul.f32 v9, v2;
	[tilespmem:s24+$0x110] =	vst v10  }
0x17b: {  	v49 =	vld [tilespmem:$0x1FD40];
	v0 =	vmul.f32 v0, v30;
	[tilespmem:s24+$0x100] =	vst v8;
	v8 =	vmul.f32 v41, v31  }
0x17c: {  	v10 =	vld [tilespmem:$0x1FD30];
	[tilespmem:s24+$0x120] =	vst v9;
	v9 =	vmul.f32 v14, v5;
	v14 =	vmul.f32 v13, v52  }
0x17d: {  	v21 =	vmul.f32 v20, v46;
	[tilespmem:s24+$0xFFFFFF00] =	vst v0;
	v8 =	vmul.f32 v8, v4  }
0x17e: {  	v53 =	vld [tilespmem:$0x1FD70];
	[tilespmem:s24+$0x150] =	vst v9;
	v9 =	vmul.f32 v14, v1;
	v14 =	vmul.f32 v13, v54  }
0x17f: {  	v12 =	vmul.f32 v12, v30;
	v11 =	vbroadcast v11, $0x3;
	[tilespmem:s24+$0x140] =	vst v8;
	v8 =	vld [tilespmem:$0x1FD60]  }
0x180: {  	v15 =	vmul.f32 v41, v49;
	v0 =	vmul.f32 v14, v4;
	[tilespmem:s24+$0xFFFFFF10] =	vst v9;
	v9 =	vld [tilespmem:$0x1FDA0]  }
0x181: {  	[tilespmem:s24+$0xFFFFFE00] =	vst v12;
	v12 =	vmul.f32 v21, v1;
	v55 =	vld [tilespmem:$0x1FD90];
	v10 =	vmul.f32 v41, v10  }
0x182: {  	v50 =	vmul.f32 v15, v7;
	[tilespmem:s24+$0xFFFFFF40] =	vst v0;
	v0 =	vmul.f32 v11, v51  }
0x183: {  	v15 =	vmul.f32 v13, v53;
	v10 =	vmul.f32 v10, v6  }
0x184: {  	[tilespmem:s24+$0xFFFFFE90] =	vst v12;
	v56 =	vld [tilespmem:$0x1FDB0];
	v0 =	vmul.f32 v0, v30;
	v8 =	vmul.f32 v13, v8  }
0x185: {  	[tilespmem:s24+$0x160] =	vst v10;
	v10 =	vmul.f32 v15, v3;
	v9 =	vmul.f32 v13, v9  }
0x186: {  	v12 =	vmul.f32 v13, v55;
	[tilespmem:s24+$0x180] =	vst v0;
	v0 =	vld [tilespmem:$0x1FDC0];
	v8 =	vmul.f32 v8, v2  }
0x187: {  	v57 =	vmul.f32 v11, v48;
	[tilespmem:s24+$0xFFFFFF30] =	vst v10;
	v9 =	vmul.f32 v9, v6  }
0x188: {  	v59 =	vld [tilespmem:$0x1FDD0];
	[tilespmem:s24+$0xFFFFFF20] =	vst v8;
	v8 =	vmul.f32 v12, v5  }
0x189: {  	v13 =	vmul.f32 v13, v56;
	[tilespmem:s24+$0xFFFFFF60] =	vst v9;
	v9 =	vmul.f32 v57, v1  }
0x18a: {  	v60 =	vld [tilespmem:$0x1FDF0];
	[tilespmem:s24+$0xFFFFFF50] =	vst v8;
	v8 =	vmul.f32 v11, v45  }
0x18b: {  	v10 =	vmul.f32 v13, v7;
	v0 =	vmul.f32 v11, v0;
	[tilespmem:s24+$0x190] =	vst v9;
	v9 =	vld [tilespmem:$0x1FDE0]  }
0x18c: {  	v58 =	vmul.f32 v11, v29;
	v8 =	vmul.f32 v8, v2  }
0x18d: {  	[tilespmem:s24+$0xFFFFFF70] =	vst v10;
	v12 =	vmul.f32 v11, v59;
	v0 =	vmul.f32 v0, v4  }
0x18e: {  	[tilespmem:s24+$0x1A0] =	vst v8  }
0x18f: {  	v10 =	vmul.f32 v58, v3;
	v8 =	vmul.f32 v12, v5;
	[tilespmem:s24+$0x1C0] =	vst v0;
	v0 =	vld [tilespmem:$0x1FE00]  }
0x190: {  	v9 =	vmul.f32 v11, v9;
	v11 =	vmul.f32 v11, v60  }
0x191: {  	[tilespmem:s24+$0x1B0] =	vst v10  }
0x192: {  	[tilespmem:s24+$0x1D0] =	vst v8;
	v8 =	vld [tilespmem:$0x1FE10];
	v10 =	vmul.f32 v11, v7;
	v11 =	vbroadcast v61, $0x3  }
0x193: {  	v16 =	vmul.f32 v19, v16  }
0x194: {  	v9 =	vmul.f32 v9, v6;
	v0 =	vmul.f32 v11, v0  }
0x195: {  	v16 =	vmul.f32 v16, v1;
	v61 =	vld [tilespmem:$0x1FE30]  }
0x196: {  	v44 =	vmul.f32 v41, v32;
	[tilespmem:s24+$0x1E0] =	vst v9;
	v9 =	vld [tilespmem:$0x1FE20];
	v0 =	vmul.f32 v0, v30  }
0x197: {  	[tilespmem:s24+$0x10] =	vst v16;
	v24 =	vmul.f32 v23, v3;
	v62 =	vld [tilespmem:$0x1FE50];
	v8 =	vmul.f32 v11, v8  }
0x198: {  	v46 =	vmul.f32 v44, v3;
	[tilespmem:s24+$0xFFFFFF80] =	vst v0;
	v0 =	vld [tilespmem:$0x1FE40]  }
0x199: {  	[tilespmem:s24+$0xB0] =	vst v24;
	v40 =	vmul.f32 v20, v37;
	v8 =	vmul.f32 v8, v1  }
0x19a: {  	v63 =	vld [tilespmem:$0x1FE70];
	[tilespmem:s24+$0x130] =	vst v46;
	v12 =	vmul.f32 v11, v61  }
0x19b: {  	v42 =	vmul.f32 v40, v7;
	v9 =	vmul.f32 v11, v9;
	[tilespmem:s24+$0xFFFFFF90] =	vst v8;
	v8 =	vld [tilespmem:$0x1FE60]  }
0x19c: {  	s23 =	sadd.s32 $0x2, s23;
	[tilespmem:s24+$0x1F0] =	vst v10;
	v10 =	vmul.f32 v12, v3;
	v12 =	vmul.f32 v11, v62  }
0x19d: {  	p0 =	slt.u32 s23, $0x1E;
	[tilespmem:s24+$0xFFFFFEF0] =	vst v42;
	v9 =	vmul.f32 v9, v2;
	v0 =	vmul.f32 v11, v0  }
.Ltmp0:
0x19e: {  	[tilespmem:s24+$0x170] =	vst v50;
	(pc) =	sbr.rel @p0 .LBB2_3-.Ltmp0, $4  }
0x19f: {  	v12 =	vmul.f32 v12, v5;
	[tilespmem:s24+$0xFFFFFFA0] =	vst v9;
	v9 =	vmul.f32 v0, v4  }
0x1a0: {  	[tilespmem:s24+$0xFFFFFFB0] =	vst v10;
	v8 =	vmul.f32 v11, v8;
	v11 =	vmul.f32 v11, v63  }
0x1a1: {  	s22 =	smov.u32 s24;
	[tilespmem:s24+$0xFFFFFFC0] =	vst v9  }
0x1a2: {  	v8 =	vmul.f32 v8, v6;
	v0 =	vmul.f32 v11, v7;
	s24 =	sadd.s32 $0x400, s24;
	[tilespmem:s22+$0xFFFFFFD0] =	vst v12  }
0x1a3: {  	s23 =	sshll.u32 s20, $0xB;
	s20 =	sadd.s32 $0x1, s20  }
0x1a4: {  	p0 =	sne.s32 s20, $0x8  }
.Ltmp1:
0x1a5: {  	_ = 	snop;
	(pc) =	sbr.rel @p0 .LBB2_2-.Ltmp1, $4  }
0x1a6: {  	_ = 	snop  }
0x1a7: {  	s24 =	sshll.u32 s21, $0xE;
	s29 =	sadd.s32 $0x5, s21;
	[tilespmem:s22+$0xFFFFFFE0] =	vst v8  }
0x1a8: {  	s19 =	sadd.s32 $0x1, s19;
	[tilespmem:s22+$0xFFFFFFF0] =	vst v0;
	s30 =	sadd.s32 s23, s6;
	s31 =	sor.u32 $0x400, s24  }
0x1a9: {  	[hbm4b:s30+s4] =	stream.linear.scatter [tilespmem:s31], [sflag:s29], $0x4000, $0x38;
	[tilespmem:$0x10480] =	vst v63  }
0x1aa: {  	_ =	swait.ge [sflag:s14], $0x4000  }
0x1ab: {  	[sflag:s14] =	ssyncset.done $0x0  }
0x1ac: {  	[sflag:s14] =	ssyncadd.s32 $0xFFFFC000  }
0x1ad: {  	_ =	swait.ge [sflag:s15], $0x4000  }
0x1ae: {  	[sflag:s15] =	ssyncset.done $0x0  }
0x1af: {  	s18 =	sadd.s32 $0x1, s18;
	[sflag:s15] =	ssyncadd.s32 $0xFFFFC000  }
0x1b0: {  	p0 =	sne.s32 s18, s7;
	_ =	swait.ge [sflag:s16], $0x4000  }
.Ltmp2:
0x1b1: {  	[sflag:s16] =	ssyncset.done $0x0;
	(pc) =	sbr.rel @p0 .LBB2_1-.Ltmp2, $4  }
0x1b2: {  	[sflag:s16] =	ssyncadd.s32 $0xFFFFC000  }
0x1b3: {  	_ =	swait.ge [sflag:s17], $0x4000  }
0x1b4: {  	[sflag:s17] =	ssyncset.done $0x0  }
0x1b5: {  	[sflag:s17] =	ssyncadd.s32 $0xFFFFC000  }
0x1b6: {  	_ =	sfence.sel $0x180000  }
0x1b7: {  	[bflag:$0x0] =	sbarrier.arrive $0xFFFF  }
0x1b8: {  	p0 =	sne.s32 s3, $0x0;
	_ =	strace $0x90000047  }
0x1b9: {  	s0 =	sadd.s32 @!p0 $0x100000, s0;
	[bflag:$0x2] =	sbarrier.arrive $0xFFFF  }
0x1ba: {  	[sflag:s0] =	ssyncadd.tile.s32 @!p0 $0x1;
	_ =	shalt  }
.Lfunc_end2:
_tile_overlayer_lowered:
.L_overlay_start_2:
0x1bb: {  	(tag) =	ssettag $0x2  }
0x1bc: {  	s0 =	rddreg [dreg:$0x0];
	s2 =	stileid.u32  }
0x1bd: {  	s1 =	rddreg [dreg:$0x1];
	p0 =	sne.s32 s2, $0x0  }
0x1be: {  	s3 =	rddreg [dreg:$0x2];
	[bflag:$0x3] =	sbarrier.arrive $0xFFFF;
	s2 =	simm.s32 @!p0 $0x1C09  }
0x1bf: {  	[timem:s3], [sflag:s2] =	dma.local @!p0 [hbm:s0], s1  }
0x1c0: {  	s0 =	simm.s32 @!p0 $0x9  }
0x1c1: {  	_ =	swait.ge @!p0 [sflag:s0], s1  }
0x1c2: {  	s1 =	ssub.s32 @!p0 $0x0, s1;
	[sflag:s0] =	ssyncset.done @!p0 $0x0  }
0x1c3: {  	[sflag:s0] =	ssyncadd.s32 @!p0 s1  }
0x1c4: {  	[bflag:$0x3] =	sbarrier.arrive $0xFFFF  }
0x1c5: {  	_ =	shalt  }

</sc_bundles>
